<compile_context>
chip_gen: v7x
topology: tpu7x:2x2x1
jax: 0.10.2.dev20260603
libtpu: 0.0.44.dev20260713+nightly
codegen_flags: <defaults>
</compile_context>

<pallas_src>
import jax
import jax.numpy as jnp
from jax import lax
from jax.experimental import pallas as pl
from jax.experimental.pallas import tpu as pltpu
from jax.experimental.pallas import tpu_sc as plsc

NC = 2
NS = 16
NW = NC * NS
L = 16

N_EDGES = 320000
N_NODES = 10000
D = 128
W = D // 2
CHUNK = 128
EPW = 10240
E_PAD = NW * EPW
NCHUNK = EPW // CHUNK
GROUPS = CHUNK // L


def _edge_dot_body(h_hbm, src_hbm, dst_hbm, out_hbm,
                   src_v, dst_v, out_v, u0, v0, u1, v1,
                   su0, sv0, su1, sv1):
    wid = lax.axis_index("s") * NC + lax.axis_index("c")
    base = wid * EPW
    pltpu.sync_copy(src_hbm.at[pl.ds(base, EPW)], src_v)
    pltpu.sync_copy(dst_hbm.at[pl.ds(base, EPW)], dst_v)

    bufs = ((u0, v0, su0, sv0), (u1, v1, su1, sv1))

    def descriptors(c, b):
        ub, vb, su, sv = bufs[b]
        i = pl.ds(c * CHUNK, CHUNK)
        return (pltpu.make_async_copy(h_hbm.at[src_v.at[i]], ub, su),
                pltpu.make_async_copy(h_hbm.at[dst_v.at[i]], vb, sv))

    def start(c, b):
        for desc in descriptors(c, b):
            desc.start()

    def wait(c, b):
        for desc in descriptors(c, b):
            desc.wait()

    lane = lax.iota(jnp.int32, L)
    himask = jnp.full((L,), jnp.int32(-65536))

    def dot_word(acc, uw, vw):
        ulo = plsc.bitcast(uw << 16, jnp.float32)
        vlo = plsc.bitcast(vw << 16, jnp.float32)
        uhi = plsc.bitcast(uw & himask, jnp.float32)
        vhi = plsc.bitcast(vw & himask, jnp.float32)
        return acc + ulo * vlo + uhi * vhi

    def compute(c, b):
        ub, vb = bufs[b][0], bufs[b][1]

        def group(g, _):
            row = g * L + lane

            def dstep(_, carry):
                acc, col = carry
                for _u in range(8):
                    uw = plsc.load_gather(ub, [row, col])
                    vw = plsc.load_gather(vb, [row, col])
                    acc = dot_word(acc, uw, vw)
                    col = col + 1
                return acc, col

            acc, _ = lax.fori_loop(
                0, W // 8, dstep,
                (jnp.zeros((L,), jnp.float32), jnp.zeros((L,), jnp.int32)))
            out_v[pl.ds(c * CHUNK + g * L, L)] = acc
            return 0

        lax.fori_loop(0, GROUPS, group, 0)

    start(0, 0)

    def outer(o, _):
        for b in range(2):
            c = o * 2 + b
            nxt = c + 1

            @pl.when(nxt < NCHUNK)
            def _():
                start(nxt, (b + 1) % 2)

            wait(c, b)
            compute(c, b)
        return 0

    lax.fori_loop(0, NCHUNK // 2, outer, 0)

    pltpu.sync_copy(out_v, out_hbm.at[pl.ds(base, EPW)])


def kernel(h, edge_index):
    ei = edge_index.astype(jnp.int32)
    pad = E_PAD - N_EDGES
    src = jnp.pad(ei[0], (0, pad))
    dst = jnp.pad(ei[1], (0, pad))
    h_packed = lax.bitcast_convert_type(
        h.astype(jnp.bfloat16).reshape(N_NODES, W, 2), jnp.int32)
    mesh = plsc.VectorSubcoreMesh(core_axis_name="c", subcore_axis_name="s")
    out = pl.kernel(
        _edge_dot_body,
        out_type=jax.ShapeDtypeStruct((E_PAD,), jnp.float32),
        mesh=mesh,
        compiler_params=pltpu.CompilerParams(needs_layout_passes=False, use_tc_tiling_on_sc=False),
        scratch_types=[
            pltpu.VMEM((EPW,), jnp.int32),
            pltpu.VMEM((EPW,), jnp.int32),
            pltpu.VMEM((EPW,), jnp.float32),
            pltpu.VMEM((CHUNK, W), jnp.int32),
            pltpu.VMEM((CHUNK, W), jnp.int32),
            pltpu.VMEM((CHUNK, W), jnp.int32),
            pltpu.VMEM((CHUNK, W), jnp.int32),
            pltpu.SemaphoreType.DMA,
            pltpu.SemaphoreType.DMA,
            pltpu.SemaphoreType.DMA,
            pltpu.SemaphoreType.DMA,
        ],
    )(h_packed, src, dst)
    return out[:N_EDGES].reshape(N_EDGES, 1)

# --- scband reference (transcript-rebuilt; emitter-appended) ---
"""Pipeline reference for scband-dot-product-predictor-29678224016202 (READ-ONLY COPY).

The authoritative reference and input builder live on the scoring server;
editing this copy changes nothing except your own understanding.
"""

import jax, jax.numpy as jnp
import numpy as np

N_NODES = 10000
N_EDGES = 320000
D_FEAT = 128

def setup_inputs(seed: int = 0) -> dict:
    key = jax.random.key(seed)
    k1, k2 = jax.random.split(key)
    h = jax.random.normal(k1, (N_NODES, D_FEAT), dtype=jnp.float32)
    edge_index = jax.random.randint(k2, (2, N_EDGES), 0, N_NODES, dtype=jnp.int64)
    return {"h": h, "edge_index": edge_index}

def reference(h, edge_index):
    # DGL u_dot_v: for each edge e=(u,v), score[e] = dot(h[u], h[v]) with keepdim
    src = edge_index[0]
    dst = edge_index[1]
    h_u = jnp.take(h, src, axis=0)
    h_v = jnp.take(h, dst, axis=0)
    score = jnp.sum(h_u * h_v, axis=-1, keepdims=True)
    return score

if __name__ == "__main__":
    import jax
    _d = setup_inputs()
    print(jax.jit(kernel)(*tuple(_d.values())))

</pallas_src>

<mosaic_0001>
#map = affine_map<(d0, d1) -> (0, 0)>
#map1 = affine_map<(d0, d1) -> (0)>
module attributes {stable_mosaic.version = 14 : i64} {
  func.func @_edge_dot_body(%arg0: i32, %arg1: i32, %arg2: memref<10000x64xi32, #tpu.memory_space<hbm>>, %arg3: memref<327680xi32, #tpu.memory_space<hbm>>, %arg4: memref<327680xi32, #tpu.memory_space<hbm>>, %arg5: memref<327680xf32, #tpu.memory_space<hbm>>, %arg6: memref<10240xi32, #tpu.memory_space<vmem>>, %arg7: memref<10240xi32, #tpu.memory_space<vmem>>, %arg8: memref<10240xf32, #tpu.memory_space<vmem>>, %arg9: memref<128x64xi32, #tpu.memory_space<vmem>>, %arg10: memref<128x64xi32, #tpu.memory_space<vmem>>, %arg11: memref<128x64xi32, #tpu.memory_space<vmem>>, %arg12: memref<128x64xi32, #tpu.memory_space<vmem>>, %arg13: memref<!tpu.dma_semaphore, #tpu.memory_space<semaphore_mem>>, %arg14: memref<!tpu.dma_semaphore, #tpu.memory_space<semaphore_mem>>, %arg15: memref<!tpu.dma_semaphore, #tpu.memory_space<semaphore_mem>>, %arg16: memref<!tpu.dma_semaphore, #tpu.memory_space<semaphore_mem>>) attributes {dimension_semantics = [#tpu.dimension_semantics<core_parallel>, #tpu.dimension_semantics<subcore_parallel>], iteration_bounds = array<i64: 2, 16>, scalar_prefetch = 0 : i64, scratch_operands = 11 : i64, tpu.core_type = #tpu.core_type<sc_vector_subcore>, window_params = [{transform_indices = #map}, {transform_indices = #map1}, {transform_indices = #map1}, {transform_indices = #map1}]} {
    %mul3A = arith.constant 2 : i32
    %mul3A_0 = arith.muli %arg1, %mul3A : i32
    %add3A = arith.addi %mul3A_0, %arg0 : i32
    %mul3A_1 = arith.constant 10240 : i32
    %mul3A_2 = arith.muli %add3A, %mul3A_1 : i32
    "tpu.region"() ({
      %run_scoped3A = tpu.sem_alloc : memref<!tpu.dma_semaphore, #tpu.memory_space<semaphore_mem>>
      %dma_start3A_19 = tpu.memref_slice %arg3[%mul3A_2] : memref<327680xi32, #tpu.memory_space<hbm>> -> memref<10240xi32, #tpu.memory_space<hbm>>
      %dma_start3A_20 = tpu.memref_slice %arg3[%mul3A_2] : memref<327680xi32, #tpu.memory_space<hbm>> -> memref<10240xi32, #tpu.memory_space<hbm>>
      tpu.enqueue_dma source(%dma_start3A_20 : memref<10240xi32, #tpu.memory_space<hbm>>) target(%arg6 : memref<10240xi32, #tpu.memory_space<vmem>>) target_semaphore(%run_scoped3A : memref<!tpu.dma_semaphore, #tpu.memory_space<semaphore_mem>>)
      %dma_wait3A = tpu.memref_slice %arg3[%mul3A_2] : memref<327680xi32, #tpu.memory_space<hbm>> -> memref<10240xi32, #tpu.memory_space<hbm>>
      %dma_wait3A_21 = tpu.memref_slice %arg3[%mul3A_2] : memref<327680xi32, #tpu.memory_space<hbm>> -> memref<10240xi32, #tpu.memory_space<hbm>>
      tpu.wait_dma2 semaphore(%run_scoped3A : memref<!tpu.dma_semaphore, #tpu.memory_space<semaphore_mem>>) src(%dma_wait3A_21 : memref<10240xi32, #tpu.memory_space<hbm>>) dst(%arg6 : memref<10240xi32, #tpu.memory_space<vmem>>)
      tpu.yield
    }) : () -> ()
    "tpu.region"() ({
      %run_scoped3A = tpu.sem_alloc : memref<!tpu.dma_semaphore, #tpu.memory_space<semaphore_mem>>
      %dma_start3A_19 = tpu.memref_slice %arg4[%mul3A_2] : memref<327680xi32, #tpu.memory_space<hbm>> -> memref<10240xi32, #tpu.memory_space<hbm>>
      %dma_start3A_20 = tpu.memref_slice %arg4[%mul3A_2] : memref<327680xi32, #tpu.memory_space<hbm>> -> memref<10240xi32, #tpu.memory_space<hbm>>
      tpu.enqueue_dma source(%dma_start3A_20 : memref<10240xi32, #tpu.memory_space<hbm>>) target(%arg7 : memref<10240xi32, #tpu.memory_space<vmem>>) target_semaphore(%run_scoped3A : memref<!tpu.dma_semaphore, #tpu.memory_space<semaphore_mem>>)
      %dma_wait3A = tpu.memref_slice %arg4[%mul3A_2] : memref<327680xi32, #tpu.memory_space<hbm>> -> memref<10240xi32, #tpu.memory_space<hbm>>
      %dma_wait3A_21 = tpu.memref_slice %arg4[%mul3A_2] : memref<327680xi32, #tpu.memory_space<hbm>> -> memref<10240xi32, #tpu.memory_space<hbm>>
      tpu.wait_dma2 semaphore(%run_scoped3A : memref<!tpu.dma_semaphore, #tpu.memory_space<semaphore_mem>>) src(%dma_wait3A_21 : memref<10240xi32, #tpu.memory_space<hbm>>) dst(%arg7 : memref<10240xi32, #tpu.memory_space<vmem>>)
      tpu.yield
    }) : () -> ()
    %iota3A = tpu.iota {dimensions = array<i32: 0>} : vector<16xi32>
    %broadcast_in_dim3A = arith.constant -65536 : i32
    %broadcast_in_dim3A_3 = vector.broadcast %broadcast_in_dim3A : i32 to vector<16xi32>
    %dma_start3A = arith.constant 0 : i32
    %dma_start3A_4 = tpu.memref_slice %arg6[%dma_start3A] : memref<10240xi32, #tpu.memory_space<vmem>> -> memref<128xi32, #tpu.memory_space<vmem>>
    %dma_start3A_5 = arith.constant 0 : i32
    %dma_start3A_6 = arith.constant 0 : i32
    %dma_start3A_7 = tpu.memref_slice %arg2[%dma_start3A_5, %dma_start3A_6] : memref<10000x64xi32, #tpu.memory_space<hbm>> -> memref<10000x64xi32, #tpu.memory_space<hbm>>
    tpu.enqueue_indirect_dma source(%dma_start3A_7 : memref<10000x64xi32, #tpu.memory_space<hbm>>) target(%arg9 : memref<128x64xi32, #tpu.memory_space<vmem>>) offsets(%dma_start3A_4 : memref<128xi32, #tpu.memory_space<vmem>>) semaphore(%arg13 : memref<!tpu.dma_semaphore, #tpu.memory_space<semaphore_mem>>)
    %dma_start3A_8 = arith.constant 0 : i32
    %dma_start3A_9 = tpu.memref_slice %arg7[%dma_start3A_8] : memref<10240xi32, #tpu.memory_space<vmem>> -> memref<128xi32, #tpu.memory_space<vmem>>
    %dma_start3A_10 = arith.constant 0 : i32
    %dma_start3A_11 = arith.constant 0 : i32
    %dma_start3A_12 = tpu.memref_slice %arg2[%dma_start3A_10, %dma_start3A_11] : memref<10000x64xi32, #tpu.memory_space<hbm>> -> memref<10000x64xi32, #tpu.memory_space<hbm>>
    tpu.enqueue_indirect_dma source(%dma_start3A_12 : memref<10000x64xi32, #tpu.memory_space<hbm>>) target(%arg10 : memref<128x64xi32, #tpu.memory_space<vmem>>) offsets(%dma_start3A_9 : memref<128xi32, #tpu.memory_space<vmem>>) semaphore(%arg14 : memref<!tpu.dma_semaphore, #tpu.memory_space<semaphore_mem>>)
    %scan3A = arith.constant 0 : i32
    %scan3A_13 = arith.constant 0 : i32
    %scan3A_14 = arith.constant 40 : i32
    %scan3A_15 = arith.addi %scan3A_13, %scan3A_14 : i32
    %scan3A_16 = arith.constant 1 : i32
    %scan3A_17 = scf.for %scan3A_19 = %scan3A_13 to %scan3A_15 step %scan3A_16 iter_args(%scan3A_20 = %scan3A) -> (i32)  : i32 {
      %mul3A_21 = arith.constant 2 : i32
      %mul3A_22 = arith.muli %scan3A_19, %mul3A_21 : i32
      %add3A_23 = arith.constant 0 : i32
      %add3A_24 = arith.addi %mul3A_22, %add3A_23 : i32
      %add3A_25 = arith.constant 1 : i32
      %add3A_26 = arith.addi %add3A_24, %add3A_25 : i32
      %lt3A = arith.constant 80 : i32
      %lt3A_27 = arith.cmpi slt, %add3A_26, %lt3A : i32
      %convert_element_type3A = arith.extui %lt3A_27 : i1 to i32
      %cond3A = arith.constant 0 : i32
      %cond3A_28 = arith.cmpi ne, %convert_element_type3A, %cond3A : i32
      scf.if %cond3A_28 {
        %mul3A_74 = arith.constant 128 : i32
        %mul3A_75 = arith.muli %add3A_26, %mul3A_74 : i32
        %dma_start3A_76 = tpu.memref_slice %arg6[%mul3A_75] : memref<10240xi32, #tpu.memory_space<vmem>> -> memref<128xi32, #tpu.memory_space<vmem>>
        %dma_start3A_77 = arith.constant 0 : i32
        %dma_start3A_78 = arith.constant 0 : i32
        %dma_start3A_79 = tpu.memref_slice %arg2[%dma_start3A_77, %dma_start3A_78] : memref<10000x64xi32, #tpu.memory_space<hbm>> -> memref<10000x64xi32, #tpu.memory_space<hbm>>
        tpu.enqueue_indirect_dma source(%dma_start3A_79 : memref<10000x64xi32, #tpu.memory_space<hbm>>) target(%arg11 : memref<128x64xi32, #tpu.memory_space<vmem>>) offsets(%dma_start3A_76 : memref<128xi32, #tpu.memory_space<vmem>>) semaphore(%arg15 : memref<!tpu.dma_semaphore, #tpu.memory_space<semaphore_mem>>)
        %dma_start3A_80 = tpu.memref_slice %arg7[%mul3A_75] : memref<10240xi32, #tpu.memory_space<vmem>> -> memref<128xi32, #tpu.memory_space<vmem>>
        %dma_start3A_81 = arith.constant 0 : i32
        %dma_start3A_82 = arith.constant 0 : i32
        %dma_start3A_83 = tpu.memref_slice %arg2[%dma_start3A_81, %dma_start3A_82] : memref<10000x64xi32, #tpu.memory_space<hbm>> -> memref<10000x64xi32, #tpu.memory_space<hbm>>
        tpu.enqueue_indirect_dma source(%dma_start3A_83 : memref<10000x64xi32, #tpu.memory_space<hbm>>) target(%arg12 : memref<128x64xi32, #tpu.memory_space<vmem>>) offsets(%dma_start3A_80 : memref<128xi32, #tpu.memory_space<vmem>>) semaphore(%arg16 : memref<!tpu.dma_semaphore, #tpu.memory_space<semaphore_mem>>)
      } else {
      }
      %mul3A_29 = arith.constant 128 : i32
      %mul3A_30 = arith.muli %add3A_24, %mul3A_29 : i32
      %dma_wait3A = tpu.memref_slice %arg6[%mul3A_30] : memref<10240xi32, #tpu.memory_space<vmem>> -> memref<128xi32, #tpu.memory_space<vmem>>
      %dma_wait3A_31 = arith.constant 0 : i32
      %dma_wait3A_32 = arith.constant 0 : i32
      %dma_wait3A_33 = tpu.memref_slice %arg2[%dma_wait3A_31, %dma_wait3A_32] : memref<10000x64xi32, #tpu.memory_space<hbm>> -> memref<10000x64xi32, #tpu.memory_space<hbm>>
      tpu.wait_indirect_dma semaphore(%arg13 : memref<!tpu.dma_semaphore, #tpu.memory_space<semaphore_mem>>) src(%dma_wait3A_33 : memref<10000x64xi32, #tpu.memory_space<hbm>>) dst(%arg9 : memref<128x64xi32, #tpu.memory_space<vmem>>)
      %dma_wait3A_34 = tpu.memref_slice %arg7[%mul3A_30] : memref<10240xi32, #tpu.memory_space<vmem>> -> memref<128xi32, #tpu.memory_space<vmem>>
      %dma_wait3A_35 = arith.constant 0 : i32
      %dma_wait3A_36 = arith.constant 0 : i32
      %dma_wait3A_37 = tpu.memref_slice %arg2[%dma_wait3A_35, %dma_wait3A_36] : memref<10000x64xi32, #tpu.memory_space<hbm>> -> memref<10000x64xi32, #tpu.memory_space<hbm>>
      tpu.wait_indirect_dma semaphore(%arg14 : memref<!tpu.dma_semaphore, #tpu.memory_space<semaphore_mem>>) src(%dma_wait3A_37 : memref<10000x64xi32, #tpu.memory_space<hbm>>) dst(%arg10 : memref<128x64xi32, #tpu.memory_space<vmem>>)
      %scan3A_38 = arith.constant 0 : i32
      %scan3A_39 = arith.constant 0 : i32
      %scan3A_40 = arith.constant 8 : i32
      %scan3A_41 = arith.addi %scan3A_39, %scan3A_40 : i32
      %scan3A_42 = arith.constant 1 : i32
      %scan3A_43 = scf.for %scan3A_74 = %scan3A_39 to %scan3A_41 step %scan3A_42 iter_args(%scan3A_75 = %scan3A_38) -> (i32)  : i32 {
        %mul3A_76 = arith.constant 16 : i32
        %mul3A_77 = arith.muli %scan3A_74, %mul3A_76 : i32
        %add3A_78 = vector.broadcast %mul3A_77 : i32 to vector<16xi32>
        %add3A_79 = arith.addi %add3A_78, %iota3A : vector<16xi32>
        %broadcast_in_dim3A_80 = arith.constant 0.000000e+00 : f32
        %broadcast_in_dim3A_81 = vector.broadcast %broadcast_in_dim3A_80 : f32 to vector<16xf32>
        %broadcast_in_dim3A_82 = arith.constant 0 : i32
        %broadcast_in_dim3A_83 = vector.broadcast %broadcast_in_dim3A_82 : i32 to vector<16xi32>
        %scan3A_84 = arith.constant 0 : i32
        %scan3A_85 = arith.constant 8 : i32
        %scan3A_86 = arith.addi %scan3A_84, %scan3A_85 : i32
        %scan3A_87 = arith.constant 1 : i32
        %scan3A_88:2 = scf.for %scan3A_97 = %scan3A_84 to %scan3A_86 step %scan3A_87 iter_args(%scan3A_98 = %broadcast_in_dim3A_81, %scan3A_99 = %broadcast_in_dim3A_83) -> (vector<16xf32>, vector<16xi32>)  : i32 {
          %gather3A = tpu.vector_load_idx %arg9[%add3A_79, %scan3A_99] : memref<128x64xi32, #tpu.memory_space<vmem>>[vector<16xi32>, vector<16xi32>], vector<16xi32>,
          %gather3A_100 = tpu.vector_load_idx %arg10[%add3A_79, %scan3A_99] : memref<128x64xi32, #tpu.memory_space<vmem>>[vector<16xi32>, vector<16xi32>], vector<16xi32>,
          %shift_left3A = arith.constant 16 : i32
          %shift_left3A_101 = vector.broadcast %shift_left3A : i32 to vector<16xi32>
          %shift_left3A_102 = arith.shli %gather3A, %shift_left3A_101 : vector<16xi32>
          %bitcast3A = vector.bitcast %shift_left3A_102 : vector<16xi32> to vector<16xf32>
          %shift_left3A_103 = arith.constant 16 : i32
          %shift_left3A_104 = vector.broadcast %shift_left3A_103 : i32 to vector<16xi32>
          %shift_left3A_105 = arith.shli %gather3A_100, %shift_left3A_104 : vector<16xi32>
          %bitcast3A_106 = vector.bitcast %shift_left3A_105 : vector<16xi32> to vector<16xf32>
          %and3A = arith.andi %gather3A, %broadcast_in_dim3A_3 : vector<16xi32>
          %bitcast3A_107 = vector.bitcast %and3A : vector<16xi32> to vector<16xf32>
          %and3A_108 = arith.andi %gather3A_100, %broadcast_in_dim3A_3 : vector<16xi32>
          %bitcast3A_109 = vector.bitcast %and3A_108 : vector<16xi32> to vector<16xf32>
          %mul3A_110 = arith.mulf %bitcast3A, %bitcast3A_106 : vector<16xf32>
          %add3A_111 = arith.addf %scan3A_98, %mul3A_110 : vector<16xf32>
          %mul3A_112 = arith.mulf %bitcast3A_107, %bitcast3A_109 : vector<16xf32>
          %add3A_113 = arith.addf %add3A_111, %mul3A_112 : vector<16xf32>
          %add3A_114 = arith.constant 1 : i32
          %add3A_115 = vector.broadcast %add3A_114 : i32 to vector<16xi32>
          %add3A_116 = arith.addi %scan3A_99, %add3A_115 : vector<16xi32>
          %gather3A_117 = tpu.vector_load_idx %arg9[%add3A_79, %add3A_116] : memref<128x64xi32, #tpu.memory_space<vmem>>[vector<16xi32>, vector<16xi32>], vector<16xi32>,
          %gather3A_118 = tpu.vector_load_idx %arg10[%add3A_79, %add3A_116] : memref<128x64xi32, #tpu.memory_space<vmem>>[vector<16xi32>, vector<16xi32>], vector<16xi32>,
          %shift_left3A_119 = arith.constant 16 : i32
          %shift_left3A_120 = vector.broadcast %shift_left3A_119 : i32 to vector<16xi32>
          %shift_left3A_121 = arith.shli %gather3A_117, %shift_left3A_120 : vector<16xi32>
          %bitcast3A_122 = vector.bitcast %shift_left3A_121 : vector<16xi32> to vector<16xf32>
          %shift_left3A_123 = arith.constant 16 : i32
          %shift_left3A_124 = vector.broadcast %shift_left3A_123 : i32 to vector<16xi32>
          %shift_left3A_125 = arith.shli %gather3A_118, %shift_left3A_124 : vector<16xi32>
          %bitcast3A_126 = vector.bitcast %shift_left3A_125 : vector<16xi32> to vector<16xf32>
          %and3A_127 = arith.andi %gather3A_117, %broadcast_in_dim3A_3 : vector<16xi32>
          %bitcast3A_128 = vector.bitcast %and3A_127 : vector<16xi32> to vector<16xf32>
          %and3A_129 = arith.andi %gather3A_118, %broadcast_in_dim3A_3 : vector<16xi32>
          %bitcast3A_130 = vector.bitcast %and3A_129 : vector<16xi32> to vector<16xf32>
          %mul3A_131 = arith.mulf %bitcast3A_122, %bitcast3A_126 : vector<16xf32>
          %add3A_132 = arith.addf %add3A_113, %mul3A_131 : vector<16xf32>
          %mul3A_133 = arith.mulf %bitcast3A_128, %bitcast3A_130 : vector<16xf32>
          %add3A_134 = arith.addf %add3A_132, %mul3A_133 : vector<16xf32>
          %add3A_135 = arith.constant 1 : i32
          %add3A_136 = vector.broadcast %add3A_135 : i32 to vector<16xi32>
          %add3A_137 = arith.addi %add3A_116, %add3A_136 : vector<16xi32>
          %gather3A_138 = tpu.vector_load_idx %arg9[%add3A_79, %add3A_137] : memref<128x64xi32, #tpu.memory_space<vmem>>[vector<16xi32>, vector<16xi32>], vector<16xi32>,
          %gather3A_139 = tpu.vector_load_idx %arg10[%add3A_79, %add3A_137] : memref<128x64xi32, #tpu.memory_space<vmem>>[vector<16xi32>, vector<16xi32>], vector<16xi32>,
          %shift_left3A_140 = arith.constant 16 : i32
          %shift_left3A_141 = vector.broadcast %shift_left3A_140 : i32 to vector<16xi32>
          %shift_left3A_142 = arith.shli %gather3A_138, %shift_left3A_141 : vector<16xi32>
          %bitcast3A_143 = vector.bitcast %shift_left3A_142 : vector<16xi32> to vector<16xf32>
          %shift_left3A_144 = arith.constant 16 : i32
          %shift_left3A_145 = vector.broadcast %shift_left3A_144 : i32 to vector<16xi32>
          %shift_left3A_146 = arith.shli %gather3A_139, %shift_left3A_145 : vector<16xi32>
          %bitcast3A_147 = vector.bitcast %shift_left3A_146 : vector<16xi32> to vector<16xf32>
          %and3A_148 = arith.andi %gather3A_138, %broadcast_in_dim3A_3 : vector<16xi32>
          %bitcast3A_149 = vector.bitcast %and3A_148 : vector<16xi32> to vector<16xf32>
          %and3A_150 = arith.andi %gather3A_139, %broadcast_in_dim3A_3 : vector<16xi32>
          %bitcast3A_151 = vector.bitcast %and3A_150 : vector<16xi32> to vector<16xf32>
          %mul3A_152 = arith.mulf %bitcast3A_143, %bitcast3A_147 : vector<16xf32>
          %add3A_153 = arith.addf %add3A_134, %mul3A_152 : vector<16xf32>
          %mul3A_154 = arith.mulf %bitcast3A_149, %bitcast3A_151 : vector<16xf32>
          %add3A_155 = arith.addf %add3A_153, %mul3A_154 : vector<16xf32>
          %add3A_156 = arith.constant 1 : i32
          %add3A_157 = vector.broadcast %add3A_156 : i32 to vector<16xi32>
          %add3A_158 = arith.addi %add3A_137, %add3A_157 : vector<16xi32>
          %gather3A_159 = tpu.vector_load_idx %arg9[%add3A_79, %add3A_158] : memref<128x64xi32, #tpu.memory_space<vmem>>[vector<16xi32>, vector<16xi32>], vector<16xi32>,
          %gather3A_160 = tpu.vector_load_idx %arg10[%add3A_79, %add3A_158] : memref<128x64xi32, #tpu.memory_space<vmem>>[vector<16xi32>, vector<16xi32>], vector<16xi32>,
          %shift_left3A_161 = arith.constant 16 : i32
          %shift_left3A_162 = vector.broadcast %shift_left3A_161 : i32 to vector<16xi32>
          %shift_left3A_163 = arith.shli %gather3A_159, %shift_left3A_162 : vector<16xi32>
          %bitcast3A_164 = vector.bitcast %shift_left3A_163 : vector<16xi32> to vector<16xf32>
          %shift_left3A_165 = arith.constant 16 : i32
          %shift_left3A_166 = vector.broadcast %shift_left3A_165 : i32 to vector<16xi32>
          %shift_left3A_167 = arith.shli %gather3A_160, %shift_left3A_166 : vector<16xi32>
          %bitcast3A_168 = vector.bitcast %shift_left3A_167 : vector<16xi32> to vector<16xf32>
          %and3A_169 = arith.andi %gather3A_159, %broadcast_in_dim3A_3 : vector<16xi32>
          %bitcast3A_170 = vector.bitcast %and3A_169 : vector<16xi32> to vector<16xf32>
          %and3A_171 = arith.andi %gather3A_160, %broadcast_in_dim3A_3 : vector<16xi32>
          %bitcast3A_172 = vector.bitcast %and3A_171 : vector<16xi32> to vector<16xf32>
          %mul3A_173 = arith.mulf %bitcast3A_164, %bitcast3A_168 : vector<16xf32>
          %add3A_174 = arith.addf %add3A_155, %mul3A_173 : vector<16xf32>
          %mul3A_175 = arith.mulf %bitcast3A_170, %bitcast3A_172 : vector<16xf32>
          %add3A_176 = arith.addf %add3A_174, %mul3A_175 : vector<16xf32>
          %add3A_177 = arith.constant 1 : i32
          %add3A_178 = vector.broadcast %add3A_177 : i32 to vector<16xi32>
          %add3A_179 = arith.addi %add3A_158, %add3A_178 : vector<16xi32>
          %gather3A_180 = tpu.vector_load_idx %arg9[%add3A_79, %add3A_179] : memref<128x64xi32, #tpu.memory_space<vmem>>[vector<16xi32>, vector<16xi32>], vector<16xi32>,
          %gather3A_181 = tpu.vector_load_idx %arg10[%add3A_79, %add3A_179] : memref<128x64xi32, #tpu.memory_space<vmem>>[vector<16xi32>, vector<16xi32>], vector<16xi32>,
          %shift_left3A_182 = arith.constant 16 : i32
          %shift_left3A_183 = vector.broadcast %shift_left3A_182 : i32 to vector<16xi32>
          %shift_left3A_184 = arith.shli %gather3A_180, %shift_left3A_183 : vector<16xi32>
          %bitcast3A_185 = vector.bitcast %shift_left3A_184 : vector<16xi32> to vector<16xf32>
          %shift_left3A_186 = arith.constant 16 : i32
          %shift_left3A_187 = vector.broadcast %shift_left3A_186 : i32 to vector<16xi32>
          %shift_left3A_188 = arith.shli %gather3A_181, %shift_left3A_187 : vector<16xi32>
          %bitcast3A_189 = vector.bitcast %shift_left3A_188 : vector<16xi32> to vector<16xf32>
          %and3A_190 = arith.andi %gather3A_180, %broadcast_in_dim3A_3 : vector<16xi32>
          %bitcast3A_191 = vector.bitcast %and3A_190 : vector<16xi32> to vector<16xf32>
          %and3A_192 = arith.andi %gather3A_181, %broadcast_in_dim3A_3 : vector<16xi32>
          %bitcast3A_193 = vector.bitcast %and3A_192 : vector<16xi32> to vector<16xf32>
          %mul3A_194 = arith.mulf %bitcast3A_185, %bitcast3A_189 : vector<16xf32>
          %add3A_195 = arith.addf %add3A_176, %mul3A_194 : vector<16xf32>
          %mul3A_196 = arith.mulf %bitcast3A_191, %bitcast3A_193 : vector<16xf32>
          %add3A_197 = arith.addf %add3A_195, %mul3A_196 : vector<16xf32>
          %add3A_198 = arith.constant 1 : i32
          %add3A_199 = vector.broadcast %add3A_198 : i32 to vector<16xi32>
          %add3A_200 = arith.addi %add3A_179, %add3A_199 : vector<16xi32>
          %gather3A_201 = tpu.vector_load_idx %arg9[%add3A_79, %add3A_200] : memref<128x64xi32, #tpu.memory_space<vmem>>[vector<16xi32>, vector<16xi32>], vector<16xi32>,
          %gather3A_202 = tpu.vector_load_idx %arg10[%add3A_79, %add3A_200] : memref<128x64xi32, #tpu.memory_space<vmem>>[vector<16xi32>, vector<16xi32>], vector<16xi32>,
          %shift_left3A_203 = arith.constant 16 : i32
          %shift_left3A_204 = vector.broadcast %shift_left3A_203 : i32 to vector<16xi32>
          %shift_left3A_205 = arith.shli %gather3A_201, %shift_left3A_204 : vector<16xi32>
          %bitcast3A_206 = vector.bitcast %shift_left3A_205 : vector<16xi32> to vector<16xf32>
          %shift_left3A_207 = arith.constant 16 : i32
          %shift_left3A_208 = vector.broadcast %shift_left3A_207 : i32 to vector<16xi32>
          %shift_left3A_209 = arith.shli %gather3A_202, %shift_left3A_208 : vector<16xi32>
          %bitcast3A_210 = vector.bitcast %shift_left3A_209 : vector<16xi32> to vector<16xf32>
          %and3A_211 = arith.andi %gather3A_201, %broadcast_in_dim3A_3 : vector<16xi32>
          %bitcast3A_212 = vector.bitcast %and3A_211 : vector<16xi32> to vector<16xf32>
          %and3A_213 = arith.andi %gather3A_202, %broadcast_in_dim3A_3 : vector<16xi32>
          %bitcast3A_214 = vector.bitcast %and3A_213 : vector<16xi32> to vector<16xf32>
          %mul3A_215 = arith.mulf %bitcast3A_206, %bitcast3A_210 : vector<16xf32>
          %add3A_216 = arith.addf %add3A_197, %mul3A_215 : vector<16xf32>
          %mul3A_217 = arith.mulf %bitcast3A_212, %bitcast3A_214 : vector<16xf32>
          %add3A_218 = arith.addf %add3A_216, %mul3A_217 : vector<16xf32>
          %add3A_219 = arith.constant 1 : i32
          %add3A_220 = vector.broadcast %add3A_219 : i32 to vector<16xi32>
          %add3A_221 = arith.addi %add3A_200, %add3A_220 : vector<16xi32>
          %gather3A_222 = tpu.vector_load_idx %arg9[%add3A_79, %add3A_221] : memref<128x64xi32, #tpu.memory_space<vmem>>[vector<16xi32>, vector<16xi32>], vector<16xi32>,
          %gather3A_223 = tpu.vector_load_idx %arg10[%add3A_79, %add3A_221] : memref<128x64xi32, #tpu.memory_space<vmem>>[vector<16xi32>, vector<16xi32>], vector<16xi32>,
          %shift_left3A_224 = arith.constant 16 : i32
          %shift_left3A_225 = vector.broadcast %shift_left3A_224 : i32 to vector<16xi32>
          %shift_left3A_226 = arith.shli %gather3A_222, %shift_left3A_225 : vector<16xi32>
          %bitcast3A_227 = vector.bitcast %shift_left3A_226 : vector<16xi32> to vector<16xf32>
          %shift_left3A_228 = arith.constant 16 : i32
          %shift_left3A_229 = vector.broadcast %shift_left3A_228 : i32 to vector<16xi32>
          %shift_left3A_230 = arith.shli %gather3A_223, %shift_left3A_229 : vector<16xi32>
          %bitcast3A_231 = vector.bitcast %shift_left3A_230 : vector<16xi32> to vector<16xf32>
          %and3A_232 = arith.andi %gather3A_222, %broadcast_in_dim3A_3 : vector<16xi32>
          %bitcast3A_233 = vector.bitcast %and3A_232 : vector<16xi32> to vector<16xf32>
          %and3A_234 = arith.andi %gather3A_223, %broadcast_in_dim3A_3 : vector<16xi32>
          %bitcast3A_235 = vector.bitcast %and3A_234 : vector<16xi32> to vector<16xf32>
          %mul3A_236 = arith.mulf %bitcast3A_227, %bitcast3A_231 : vector<16xf32>
          %add3A_237 = arith.addf %add3A_218, %mul3A_236 : vector<16xf32>
          %mul3A_238 = arith.mulf %bitcast3A_233, %bitcast3A_235 : vector<16xf32>
          %add3A_239 = arith.addf %add3A_237, %mul3A_238 : vector<16xf32>
          %add3A_240 = arith.constant 1 : i32
          %add3A_241 = vector.broadcast %add3A_240 : i32 to vector<16xi32>
          %add3A_242 = arith.addi %add3A_221, %add3A_241 : vector<16xi32>
          %gather3A_243 = tpu.vector_load_idx %arg9[%add3A_79, %add3A_242] : memref<128x64xi32, #tpu.memory_space<vmem>>[vector<16xi32>, vector<16xi32>], vector<16xi32>,
          %gather3A_244 = tpu.vector_load_idx %arg10[%add3A_79, %add3A_242] : memref<128x64xi32, #tpu.memory_space<vmem>>[vector<16xi32>, vector<16xi32>], vector<16xi32>,
          %shift_left3A_245 = arith.constant 16 : i32
          %shift_left3A_246 = vector.broadcast %shift_left3A_245 : i32 to vector<16xi32>
          %shift_left3A_247 = arith.shli %gather3A_243, %shift_left3A_246 : vector<16xi32>
          %bitcast3A_248 = vector.bitcast %shift_left3A_247 : vector<16xi32> to vector<16xf32>
          %shift_left3A_249 = arith.constant 16 : i32
          %shift_left3A_250 = vector.broadcast %shift_left3A_249 : i32 to vector<16xi32>
          %shift_left3A_251 = arith.shli %gather3A_244, %shift_left3A_250 : vector<16xi32>
          %bitcast3A_252 = vector.bitcast %shift_left3A_251 : vector<16xi32> to vector<16xf32>
          %and3A_253 = arith.andi %gather3A_243, %broadcast_in_dim3A_3 : vector<16xi32>
          %bitcast3A_254 = vector.bitcast %and3A_253 : vector<16xi32> to vector<16xf32>
          %and3A_255 = arith.andi %gather3A_244, %broadcast_in_dim3A_3 : vector<16xi32>
          %bitcast3A_256 = vector.bitcast %and3A_255 : vector<16xi32> to vector<16xf32>
          %mul3A_257 = arith.mulf %bitcast3A_248, %bitcast3A_252 : vector<16xf32>
          %add3A_258 = arith.addf %add3A_239, %mul3A_257 : vector<16xf32>
          %mul3A_259 = arith.mulf %bitcast3A_254, %bitcast3A_256 : vector<16xf32>
          %add3A_260 = arith.addf %add3A_258, %mul3A_259 : vector<16xf32>
          %add3A_261 = arith.constant 1 : i32
          %add3A_262 = vector.broadcast %add3A_261 : i32 to vector<16xi32>
          %add3A_263 = arith.addi %add3A_242, %add3A_262 : vector<16xi32>
          scf.yield %add3A_260, %add3A_263 : vector<16xf32>, vector<16xi32>
        }
        %scan3A_89 = arith.constant 8 : i32
        %mul3A_90 = arith.constant 128 : i32
        %mul3A_91 = arith.muli %add3A_24, %mul3A_90 : i32
        %mul3A_92 = arith.constant 16 : i32
        %mul3A_93 = arith.muli %scan3A_74, %mul3A_92 : i32
        %add3A_94 = arith.addi %mul3A_91, %mul3A_93 : i32
        %swap3A = arith.index_cast %add3A_94 : i32 to index
        %swap3A_95 = tpu.vector_load %arg8[%swap3A] {strides = array<i32>} : memref<10240xf32, #tpu.memory_space<vmem>>, vector<16xf32>,
        tpu.vector_store %arg8[%swap3A], %scan3A_88#0 {strides = array<i32>} : memref<10240xf32, #tpu.memory_space<vmem>>, vector<16xf32>,
        %scan3A_96 = arith.constant 0 : i32
        scf.yield %scan3A_96 : i32
      }
      %scan3A_44 = arith.constant 8 : i32
      %mul3A_45 = arith.constant 2 : i32
      %mul3A_46 = arith.muli %scan3A_19, %mul3A_45 : i32
      %add3A_47 = arith.constant 1 : i32
      %add3A_48 = arith.addi %mul3A_46, %add3A_47 : i32
      %add3A_49 = arith.constant 1 : i32
      %add3A_50 = arith.addi %add3A_48, %add3A_49 : i32
      %lt3A_51 = arith.constant 80 : i32
      %lt3A_52 = arith.cmpi slt, %add3A_50, %lt3A_51 : i32
      %convert_element_type3A_53 = arith.extui %lt3A_52 : i1 to i32
      %cond3A_54 = arith.constant 0 : i32
      %cond3A_55 = arith.cmpi ne, %convert_element_type3A_53, %cond3A_54 : i32
      scf.if %cond3A_55 {
        %mul3A_74 = arith.constant 128 : i32
        %mul3A_75 = arith.muli %add3A_50, %mul3A_74 : i32
        %dma_start3A_76 = tpu.memref_slice %arg6[%mul3A_75] : memref<10240xi32, #tpu.memory_space<vmem>> -> memref<128xi32, #tpu.memory_space<vmem>>
        %dma_start3A_77 = arith.constant 0 : i32
        %dma_start3A_78 = arith.constant 0 : i32
        %dma_start3A_79 = tpu.memref_slice %arg2[%dma_start3A_77, %dma_start3A_78] : memref<10000x64xi32, #tpu.memory_space<hbm>> -> memref<10000x64xi32, #tpu.memory_space<hbm>>
        tpu.enqueue_indirect_dma source(%dma_start3A_79 : memref<10000x64xi32, #tpu.memory_space<hbm>>) target(%arg9 : memref<128x64xi32, #tpu.memory_space<vmem>>) offsets(%dma_start3A_76 : memref<128xi32, #tpu.memory_space<vmem>>) semaphore(%arg13 : memref<!tpu.dma_semaphore, #tpu.memory_space<semaphore_mem>>)
        %dma_start3A_80 = tpu.memref_slice %arg7[%mul3A_75] : memref<10240xi32, #tpu.memory_space<vmem>> -> memref<128xi32, #tpu.memory_space<vmem>>
        %dma_start3A_81 = arith.constant 0 : i32
        %dma_start3A_82 = arith.constant 0 : i32
        %dma_start3A_83 = tpu.memref_slice %arg2[%dma_start3A_81, %dma_start3A_82] : memref<10000x64xi32, #tpu.memory_space<hbm>> -> memref<10000x64xi32, #tpu.memory_space<hbm>>
        tpu.enqueue_indirect_dma source(%dma_start3A_83 : memref<10000x64xi32, #tpu.memory_space<hbm>>) target(%arg10 : memref<128x64xi32, #tpu.memory_space<vmem>>) offsets(%dma_start3A_80 : memref<128xi32, #tpu.memory_space<vmem>>) semaphore(%arg14 : memref<!tpu.dma_semaphore, #tpu.memory_space<semaphore_mem>>)
      } else {
      }
      %mul3A_56 = arith.constant 128 : i32
      %mul3A_57 = arith.muli %add3A_48, %mul3A_56 : i32
      %dma_wait3A_58 = tpu.memref_slice %arg6[%mul3A_57] : memref<10240xi32, #tpu.memory_space<vmem>> -> memref<128xi32, #tpu.memory_space<vmem>>
      %dma_wait3A_59 = arith.constant 0 : i32
      %dma_wait3A_60 = arith.constant 0 : i32
      %dma_wait3A_61 = tpu.memref_slice %arg2[%dma_wait3A_59, %dma_wait3A_60] : memref<10000x64xi32, #tpu.memory_space<hbm>> -> memref<10000x64xi32, #tpu.memory_space<hbm>>
      tpu.wait_indirect_dma semaphore(%arg15 : memref<!tpu.dma_semaphore, #tpu.memory_space<semaphore_mem>>) src(%dma_wait3A_61 : memref<10000x64xi32, #tpu.memory_space<hbm>>) dst(%arg11 : memref<128x64xi32, #tpu.memory_space<vmem>>)
      %dma_wait3A_62 = tpu.memref_slice %arg7[%mul3A_57] : memref<10240xi32, #tpu.memory_space<vmem>> -> memref<128xi32, #tpu.memory_space<vmem>>
      %dma_wait3A_63 = arith.constant 0 : i32
      %dma_wait3A_64 = arith.constant 0 : i32
      %dma_wait3A_65 = tpu.memref_slice %arg2[%dma_wait3A_63, %dma_wait3A_64] : memref<10000x64xi32, #tpu.memory_space<hbm>> -> memref<10000x64xi32, #tpu.memory_space<hbm>>
      tpu.wait_indirect_dma semaphore(%arg16 : memref<!tpu.dma_semaphore, #tpu.memory_space<semaphore_mem>>) src(%dma_wait3A_65 : memref<10000x64xi32, #tpu.memory_space<hbm>>) dst(%arg12 : memref<128x64xi32, #tpu.memory_space<vmem>>)
      %scan3A_66 = arith.constant 0 : i32
      %scan3A_67 = arith.constant 0 : i32
      %scan3A_68 = arith.constant 8 : i32
      %scan3A_69 = arith.addi %scan3A_67, %scan3A_68 : i32
      %scan3A_70 = arith.constant 1 : i32
      %scan3A_71 = scf.for %scan3A_74 = %scan3A_67 to %scan3A_69 step %scan3A_70 iter_args(%scan3A_75 = %scan3A_66) -> (i32)  : i32 {
        %mul3A_76 = arith.constant 16 : i32
        %mul3A_77 = arith.muli %scan3A_74, %mul3A_76 : i32
        %add3A_78 = vector.broadcast %mul3A_77 : i32 to vector<16xi32>
        %add3A_79 = arith.addi %add3A_78, %iota3A : vector<16xi32>
        %broadcast_in_dim3A_80 = arith.constant 0.000000e+00 : f32
        %broadcast_in_dim3A_81 = vector.broadcast %broadcast_in_dim3A_80 : f32 to vector<16xf32>
        %broadcast_in_dim3A_82 = arith.constant 0 : i32
        %broadcast_in_dim3A_83 = vector.broadcast %broadcast_in_dim3A_82 : i32 to vector<16xi32>
        %scan3A_84 = arith.constant 0 : i32
        %scan3A_85 = arith.constant 8 : i32
        %scan3A_86 = arith.addi %scan3A_84, %scan3A_85 : i32
        %scan3A_87 = arith.constant 1 : i32
        %scan3A_88:2 = scf.for %scan3A_97 = %scan3A_84 to %scan3A_86 step %scan3A_87 iter_args(%scan3A_98 = %broadcast_in_dim3A_81, %scan3A_99 = %broadcast_in_dim3A_83) -> (vector<16xf32>, vector<16xi32>)  : i32 {
          %gather3A = tpu.vector_load_idx %arg11[%add3A_79, %scan3A_99] : memref<128x64xi32, #tpu.memory_space<vmem>>[vector<16xi32>, vector<16xi32>], vector<16xi32>,
          %gather3A_100 = tpu.vector_load_idx %arg12[%add3A_79, %scan3A_99] : memref<128x64xi32, #tpu.memory_space<vmem>>[vector<16xi32>, vector<16xi32>], vector<16xi32>,
          %shift_left3A = arith.constant 16 : i32
          %shift_left3A_101 = vector.broadcast %shift_left3A : i32 to vector<16xi32>
          %shift_left3A_102 = arith.shli %gather3A, %shift_left3A_101 : vector<16xi32>
          %bitcast3A = vector.bitcast %shift_left3A_102 : vector<16xi32> to vector<16xf32>
          %shift_left3A_103 = arith.constant 16 : i32
          %shift_left3A_104 = vector.broadcast %shift_left3A_103 : i32 to vector<16xi32>
          %shift_left3A_105 = arith.shli %gather3A_100, %shift_left3A_104 : vector<16xi32>
          %bitcast3A_106 = vector.bitcast %shift_left3A_105 : vector<16xi32> to vector<16xf32>
          %and3A = arith.andi %gather3A, %broadcast_in_dim3A_3 : vector<16xi32>
          %bitcast3A_107 = vector.bitcast %and3A : vector<16xi32> to vector<16xf32>
          %and3A_108 = arith.andi %gather3A_100, %broadcast_in_dim3A_3 : vector<16xi32>
          %bitcast3A_109 = vector.bitcast %and3A_108 : vector<16xi32> to vector<16xf32>
          %mul3A_110 = arith.mulf %bitcast3A, %bitcast3A_106 : vector<16xf32>
          %add3A_111 = arith.addf %scan3A_98, %mul3A_110 : vector<16xf32>
          %mul3A_112 = arith.mulf %bitcast3A_107, %bitcast3A_109 : vector<16xf32>
          %add3A_113 = arith.addf %add3A_111, %mul3A_112 : vector<16xf32>
          %add3A_114 = arith.constant 1 : i32
          %add3A_115 = vector.broadcast %add3A_114 : i32 to vector<16xi32>
          %add3A_116 = arith.addi %scan3A_99, %add3A_115 : vector<16xi32>
          %gather3A_117 = tpu.vector_load_idx %arg11[%add3A_79, %add3A_116] : memref<128x64xi32, #tpu.memory_space<vmem>>[vector<16xi32>, vector<16xi32>], vector<16xi32>,
          %gather3A_118 = tpu.vector_load_idx %arg12[%add3A_79, %add3A_116] : memref<128x64xi32, #tpu.memory_space<vmem>>[vector<16xi32>, vector<16xi32>], vector<16xi32>,
          %shift_left3A_119 = arith.constant 16 : i32
          %shift_left3A_120 = vector.broadcast %shift_left3A_119 : i32 to vector<16xi32>
          %shift_left3A_121 = arith.shli %gather3A_117, %shift_left3A_120 : vector<16xi32>
          %bitcast3A_122 = vector.bitcast %shift_left3A_121 : vector<16xi32> to vector<16xf32>
          %shift_left3A_123 = arith.constant 16 : i32
          %shift_left3A_124 = vector.broadcast %shift_left3A_123 : i32 to vector<16xi32>
          %shift_left3A_125 = arith.shli %gather3A_118, %shift_left3A_124 : vector<16xi32>
          %bitcast3A_126 = vector.bitcast %shift_left3A_125 : vector<16xi32> to vector<16xf32>
          %and3A_127 = arith.andi %gather3A_117, %broadcast_in_dim3A_3 : vector<16xi32>
          %bitcast3A_128 = vector.bitcast %and3A_127 : vector<16xi32> to vector<16xf32>
          %and3A_129 = arith.andi %gather3A_118, %broadcast_in_dim3A_3 : vector<16xi32>
          %bitcast3A_130 = vector.bitcast %and3A_129 : vector<16xi32> to vector<16xf32>
          %mul3A_131 = arith.mulf %bitcast3A_122, %bitcast3A_126 : vector<16xf32>
          %add3A_132 = arith.addf %add3A_113, %mul3A_131 : vector<16xf32>
          %mul3A_133 = arith.mulf %bitcast3A_128, %bitcast3A_130 : vector<16xf32>
          %add3A_134 = arith.addf %add3A_132, %mul3A_133 : vector<16xf32>
          %add3A_135 = arith.constant 1 : i32
          %add3A_136 = vector.broadcast %add3A_135 : i32 to vector<16xi32>
          %add3A_137 = arith.addi %add3A_116, %add3A_136 : vector<16xi32>
          %gather3A_138 = tpu.vector_load_idx %arg11[%add3A_79, %add3A_137] : memref<128x64xi32, #tpu.memory_space<vmem>>[vector<16xi32>, vector<16xi32>], vector<16xi32>,
          %gather3A_139 = tpu.vector_load_idx %arg12[%add3A_79, %add3A_137] : memref<128x64xi32, #tpu.memory_space<vmem>>[vector<16xi32>, vector<16xi32>], vector<16xi32>,
          %shift_left3A_140 = arith.constant 16 : i32
          %shift_left3A_141 = vector.broadcast %shift_left3A_140 : i32 to vector<16xi32>
          %shift_left3A_142 = arith.shli %gather3A_138, %shift_left3A_141 : vector<16xi32>
          %bitcast3A_143 = vector.bitcast %shift_left3A_142 : vector<16xi32> to vector<16xf32>
          %shift_left3A_144 = arith.constant 16 : i32
          %shift_left3A_145 = vector.broadcast %shift_left3A_144 : i32 to vector<16xi32>
          %shift_left3A_146 = arith.shli %gather3A_139, %shift_left3A_145 : vector<16xi32>
          %bitcast3A_147 = vector.bitcast %shift_left3A_146 : vector<16xi32> to vector<16xf32>
          %and3A_148 = arith.andi %gather3A_138, %broadcast_in_dim3A_3 : vector<16xi32>
          %bitcast3A_149 = vector.bitcast %and3A_148 : vector<16xi32> to vector<16xf32>
          %and3A_150 = arith.andi %gather3A_139, %broadcast_in_dim3A_3 : vector<16xi32>
          %bitcast3A_151 = vector.bitcast %and3A_150 : vector<16xi32> to vector<16xf32>
          %mul3A_152 = arith.mulf %bitcast3A_143, %bitcast3A_147 : vector<16xf32>
          %add3A_153 = arith.addf %add3A_134, %mul3A_152 : vector<16xf32>
          %mul3A_154 = arith.mulf %bitcast3A_149, %bitcast3A_151 : vector<16xf32>
          %add3A_155 = arith.addf %add3A_153, %mul3A_154 : vector<16xf32>
          %add3A_156 = arith.constant 1 : i32
          %add3A_157 = vector.broadcast %add3A_156 : i32 to vector<16xi32>
          %add3A_158 = arith.addi %add3A_137, %add3A_157 : vector<16xi32>
          %gather3A_159 = tpu.vector_load_idx %arg11[%add3A_79, %add3A_158] : memref<128x64xi32, #tpu.memory_space<vmem>>[vector<16xi32>, vector<16xi32>], vector<16xi32>,
          %gather3A_160 = tpu.vector_load_idx %arg12[%add3A_79, %add3A_158] : memref<128x64xi32, #tpu.memory_space<vmem>>[vector<16xi32>, vector<16xi32>], vector<16xi32>,
          %shift_left3A_161 = arith.constant 16 : i32
          %shift_left3A_162 = vector.broadcast %shift_left3A_161 : i32 to vector<16xi32>
          %shift_left3A_163 = arith.shli %gather3A_159, %shift_left3A_162 : vector<16xi32>
          %bitcast3A_164 = vector.bitcast %shift_left3A_163 : vector<16xi32> to vector<16xf32>
          %shift_left3A_165 = arith.constant 16 : i32
          %shift_left3A_166 = vector.broadcast %shift_left3A_165 : i32 to vector<16xi32>
          %shift_left3A_167 = arith.shli %gather3A_160, %shift_left3A_166 : vector<16xi32>
          %bitcast3A_168 = vector.bitcast %shift_left3A_167 : vector<16xi32> to vector<16xf32>
          %and3A_169 = arith.andi %gather3A_159, %broadcast_in_dim3A_3 : vector<16xi32>
          %bitcast3A_170 = vector.bitcast %and3A_169 : vector<16xi32> to vector<16xf32>
          %and3A_171 = arith.andi %gather3A_160, %broadcast_in_dim3A_3 : vector<16xi32>
          %bitcast3A_172 = vector.bitcast %and3A_171 : vector<16xi32> to vector<16xf32>
          %mul3A_173 = arith.mulf %bitcast3A_164, %bitcast3A_168 : vector<16xf32>
          %add3A_174 = arith.addf %add3A_155, %mul3A_173 : vector<16xf32>
          %mul3A_175 = arith.mulf %bitcast3A_170, %bitcast3A_172 : vector<16xf32>
          %add3A_176 = arith.addf %add3A_174, %mul3A_175 : vector<16xf32>
          %add3A_177 = arith.constant 1 : i32
          %add3A_178 = vector.broadcast %add3A_177 : i32 to vector<16xi32>
          %add3A_179 = arith.addi %add3A_158, %add3A_178 : vector<16xi32>
          %gather3A_180 = tpu.vector_load_idx %arg11[%add3A_79, %add3A_179] : memref<128x64xi32, #tpu.memory_space<vmem>>[vector<16xi32>, vector<16xi32>], vector<16xi32>,
          %gather3A_181 = tpu.vector_load_idx %arg12[%add3A_79, %add3A_179] : memref<128x64xi32, #tpu.memory_space<vmem>>[vector<16xi32>, vector<16xi32>], vector<16xi32>,
          %shift_left3A_182 = arith.constant 16 : i32
          %shift_left3A_183 = vector.broadcast %shift_left3A_182 : i32 to vector<16xi32>
          %shift_left3A_184 = arith.shli %gather3A_180, %shift_left3A_183 : vector<16xi32>
          %bitcast3A_185 = vector.bitcast %shift_left3A_184 : vector<16xi32> to vector<16xf32>
          %shift_left3A_186 = arith.constant 16 : i32
          %shift_left3A_187 = vector.broadcast %shift_left3A_186 : i32 to vector<16xi32>
          %shift_left3A_188 = arith.shli %gather3A_181, %shift_left3A_187 : vector<16xi32>
          %bitcast3A_189 = vector.bitcast %shift_left3A_188 : vector<16xi32> to vector<16xf32>
          %and3A_190 = arith.andi %gather3A_180, %broadcast_in_dim3A_3 : vector<16xi32>
          %bitcast3A_191 = vector.bitcast %and3A_190 : vector<16xi32> to vector<16xf32>
          %and3A_192 = arith.andi %gather3A_181, %broadcast_in_dim3A_3 : vector<16xi32>
          %bitcast3A_193 = vector.bitcast %and3A_192 : vector<16xi32> to vector<16xf32>
          %mul3A_194 = arith.mulf %bitcast3A_185, %bitcast3A_189 : vector<16xf32>
          %add3A_195 = arith.addf %add3A_176, %mul3A_194 : vector<16xf32>
          %mul3A_196 = arith.mulf %bitcast3A_191, %bitcast3A_193 : vector<16xf32>
          %add3A_197 = arith.addf %add3A_195, %mul3A_196 : vector<16xf32>
          %add3A_198 = arith.constant 1 : i32
          %add3A_199 = vector.broadcast %add3A_198 : i32 to vector<16xi32>
          %add3A_200 = arith.addi %add3A_179, %add3A_199 : vector<16xi32>
          %gather3A_201 = tpu.vector_load_idx %arg11[%add3A_79, %add3A_200] : memref<128x64xi32, #tpu.memory_space<vmem>>[vector<16xi32>, vector<16xi32>], vector<16xi32>,
          %gather3A_202 = tpu.vector_load_idx %arg12[%add3A_79, %add3A_200] : memref<128x64xi32, #tpu.memory_space<vmem>>[vector<16xi32>, vector<16xi32>], vector<16xi32>,
          %shift_left3A_203 = arith.constant 16 : i32
          %shift_left3A_204 = vector.broadcast %shift_left3A_203 : i32 to vector<16xi32>
          %shift_left3A_205 = arith.shli %gather3A_201, %shift_left3A_204 : vector<16xi32>
          %bitcast3A_206 = vector.bitcast %shift_left3A_205 : vector<16xi32> to vector<16xf32>
          %shift_left3A_207 = arith.constant 16 : i32
          %shift_left3A_208 = vector.broadcast %shift_left3A_207 : i32 to vector<16xi32>
          %shift_left3A_209 = arith.shli %gather3A_202, %shift_left3A_208 : vector<16xi32>
          %bitcast3A_210 = vector.bitcast %shift_left3A_209 : vector<16xi32> to vector<16xf32>
          %and3A_211 = arith.andi %gather3A_201, %broadcast_in_dim3A_3 : vector<16xi32>
          %bitcast3A_212 = vector.bitcast %and3A_211 : vector<16xi32> to vector<16xf32>
          %and3A_213 = arith.andi %gather3A_202, %broadcast_in_dim3A_3 : vector<16xi32>
          %bitcast3A_214 = vector.bitcast %and3A_213 : vector<16xi32> to vector<16xf32>
          %mul3A_215 = arith.mulf %bitcast3A_206, %bitcast3A_210 : vector<16xf32>
          %add3A_216 = arith.addf %add3A_197, %mul3A_215 : vector<16xf32>
          %mul3A_217 = arith.mulf %bitcast3A_212, %bitcast3A_214 : vector<16xf32>
          %add3A_218 = arith.addf %add3A_216, %mul3A_217 : vector<16xf32>
          %add3A_219 = arith.constant 1 : i32
          %add3A_220 = vector.broadcast %add3A_219 : i32 to vector<16xi32>
          %add3A_221 = arith.addi %add3A_200, %add3A_220 : vector<16xi32>
          %gather3A_222 = tpu.vector_load_idx %arg11[%add3A_79, %add3A_221] : memref<128x64xi32, #tpu.memory_space<vmem>>[vector<16xi32>, vector<16xi32>], vector<16xi32>,
          %gather3A_223 = tpu.vector_load_idx %arg12[%add3A_79, %add3A_221] : memref<128x64xi32, #tpu.memory_space<vmem>>[vector<16xi32>, vector<16xi32>], vector<16xi32>,
          %shift_left3A_224 = arith.constant 16 : i32
          %shift_left3A_225 = vector.broadcast %shift_left3A_224 : i32 to vector<16xi32>
          %shift_left3A_226 = arith.shli %gather3A_222, %shift_left3A_225 : vector<16xi32>
          %bitcast3A_227 = vector.bitcast %shift_left3A_226 : vector<16xi32> to vector<16xf32>
          %shift_left3A_228 = arith.constant 16 : i32
          %shift_left3A_229 = vector.broadcast %shift_left3A_228 : i32 to vector<16xi32>
          %shift_left3A_230 = arith.shli %gather3A_223, %shift_left3A_229 : vector<16xi32>
          %bitcast3A_231 = vector.bitcast %shift_left3A_230 : vector<16xi32> to vector<16xf32>
          %and3A_232 = arith.andi %gather3A_222, %broadcast_in_dim3A_3 : vector<16xi32>
          %bitcast3A_233 = vector.bitcast %and3A_232 : vector<16xi32> to vector<16xf32>
          %and3A_234 = arith.andi %gather3A_223, %broadcast_in_dim3A_3 : vector<16xi32>
          %bitcast3A_235 = vector.bitcast %and3A_234 : vector<16xi32> to vector<16xf32>
          %mul3A_236 = arith.mulf %bitcast3A_227, %bitcast3A_231 : vector<16xf32>
          %add3A_237 = arith.addf %add3A_218, %mul3A_236 : vector<16xf32>
          %mul3A_238 = arith.mulf %bitcast3A_233, %bitcast3A_235 : vector<16xf32>
          %add3A_239 = arith.addf %add3A_237, %mul3A_238 : vector<16xf32>
          %add3A_240 = arith.constant 1 : i32
          %add3A_241 = vector.broadcast %add3A_240 : i32 to vector<16xi32>
          %add3A_242 = arith.addi %add3A_221, %add3A_241 : vector<16xi32>
          %gather3A_243 = tpu.vector_load_idx %arg11[%add3A_79, %add3A_242] : memref<128x64xi32, #tpu.memory_space<vmem>>[vector<16xi32>, vector<16xi32>], vector<16xi32>,
          %gather3A_244 = tpu.vector_load_idx %arg12[%add3A_79, %add3A_242] : memref<128x64xi32, #tpu.memory_space<vmem>>[vector<16xi32>, vector<16xi32>], vector<16xi32>,
          %shift_left3A_245 = arith.constant 16 : i32
          %shift_left3A_246 = vector.broadcast %shift_left3A_245 : i32 to vector<16xi32>
          %shift_left3A_247 = arith.shli %gather3A_243, %shift_left3A_246 : vector<16xi32>
          %bitcast3A_248 = vector.bitcast %shift_left3A_247 : vector<16xi32> to vector<16xf32>
          %shift_left3A_249 = arith.constant 16 : i32
          %shift_left3A_250 = vector.broadcast %shift_left3A_249 : i32 to vector<16xi32>
          %shift_left3A_251 = arith.shli %gather3A_244, %shift_left3A_250 : vector<16xi32>
          %bitcast3A_252 = vector.bitcast %shift_left3A_251 : vector<16xi32> to vector<16xf32>
          %and3A_253 = arith.andi %gather3A_243, %broadcast_in_dim3A_3 : vector<16xi32>
          %bitcast3A_254 = vector.bitcast %and3A_253 : vector<16xi32> to vector<16xf32>
          %and3A_255 = arith.andi %gather3A_244, %broadcast_in_dim3A_3 : vector<16xi32>
          %bitcast3A_256 = vector.bitcast %and3A_255 : vector<16xi32> to vector<16xf32>
          %mul3A_257 = arith.mulf %bitcast3A_248, %bitcast3A_252 : vector<16xf32>
          %add3A_258 = arith.addf %add3A_239, %mul3A_257 : vector<16xf32>
          %mul3A_259 = arith.mulf %bitcast3A_254, %bitcast3A_256 : vector<16xf32>
          %add3A_260 = arith.addf %add3A_258, %mul3A_259 : vector<16xf32>
          %add3A_261 = arith.constant 1 : i32
          %add3A_262 = vector.broadcast %add3A_261 : i32 to vector<16xi32>
          %add3A_263 = arith.addi %add3A_242, %add3A_262 : vector<16xi32>
          scf.yield %add3A_260, %add3A_263 : vector<16xf32>, vector<16xi32>
        }
        %scan3A_89 = arith.constant 8 : i32
        %mul3A_90 = arith.constant 128 : i32
        %mul3A_91 = arith.muli %add3A_48, %mul3A_90 : i32
        %mul3A_92 = arith.constant 16 : i32
        %mul3A_93 = arith.muli %scan3A_74, %mul3A_92 : i32
        %add3A_94 = arith.addi %mul3A_91, %mul3A_93 : i32
        %swap3A = arith.index_cast %add3A_94 : i32 to index
        %swap3A_95 = tpu.vector_load %arg8[%swap3A] {strides = array<i32>} : memref<10240xf32, #tpu.memory_space<vmem>>, vector<16xf32>,
        tpu.vector_store %arg8[%swap3A], %scan3A_88#0 {strides = array<i32>} : memref<10240xf32, #tpu.memory_space<vmem>>, vector<16xf32>,
        %scan3A_96 = arith.constant 0 : i32
        scf.yield %scan3A_96 : i32
      }
      %scan3A_72 = arith.constant 8 : i32
      %scan3A_73 = arith.constant 0 : i32
      scf.yield %scan3A_73 : i32
    }
    %scan3A_18 = arith.constant 40 : i32
    "tpu.region"() ({
      %run_scoped3A = tpu.sem_alloc : memref<!tpu.dma_semaphore, #tpu.memory_space<semaphore_mem>>
      %dma_start3A_19 = tpu.memref_slice %arg5[%mul3A_2] : memref<327680xf32, #tpu.memory_space<hbm>> -> memref<10240xf32, #tpu.memory_space<hbm>>
      %dma_start3A_20 = tpu.memref_slice %arg5[%mul3A_2] : memref<327680xf32, #tpu.memory_space<hbm>> -> memref<10240xf32, #tpu.memory_space<hbm>>
      tpu.enqueue_dma source(%arg8 : memref<10240xf32, #tpu.memory_space<vmem>>) target(%dma_start3A_20 : memref<10240xf32, #tpu.memory_space<hbm>>) target_semaphore(%run_scoped3A : memref<!tpu.dma_semaphore, #tpu.memory_space<semaphore_mem>>)
      %dma_wait3A = tpu.memref_slice %arg5[%mul3A_2] : memref<327680xf32, #tpu.memory_space<hbm>> -> memref<10240xf32, #tpu.memory_space<hbm>>
      %dma_wait3A_21 = tpu.memref_slice %arg5[%mul3A_2] : memref<327680xf32, #tpu.memory_space<hbm>> -> memref<10240xf32, #tpu.memory_space<hbm>>
      tpu.wait_dma2 semaphore(%run_scoped3A : memref<!tpu.dma_semaphore, #tpu.memory_space<semaphore_mem>>) src(%arg8 : memref<10240xf32, #tpu.memory_space<vmem>>) dst(%dma_wait3A_21 : memref<10240xf32, #tpu.memory_space<hbm>>)
      tpu.yield
    }) : () -> ()
    return
  }
}

</mosaic_0001>

<sc_bundles>
// kernel: kernel.3.cloned.1.call-start
scs
__scs_entry_jumppad:
0x0: {  	(pc) =	sbr.rel $0x88, $3  }
0x1: {  	(tag) =	ssettag $0x0;
	lr =	simm.s32 $0x1  }
0x2: {  	[smem:$0x3F9F] =	sst lr;
	_ =	strace $0xD0000000  }
0x3: {  	_ = 	snop  }
0x4: {  	_ = 	snop  }
0x5: {  	_ = 	snop  }
0x6: {  	_ = 	snop  }
0x7: {  	_ = 	snop  }
__scs_overlays_trampoline_lowered:
0x8: {  	[smem:$0x3FAE] =	sst s0  }
0x9: {  	[smem:$0x3FAF] =	sst s1  }
0xa: {  	[smem:$0x3FB0] =	sst s2  }
0xb: {  	[smem:$0x3FB1] =	sst s3  }
0xc: {  	[smem:$0x3FB2] =	sst s4  }
0xd: {  	[smem:$0x3FB3] =	sst s5  }
0xe: {  	[smem:$0x3FB4] =	sst s6  }
0xf: {  	[smem:$0x3FB5] =	sst s7  }
0x10: {  	[smem:$0x3FB6] =	sst s8  }
0x11: {  	[smem:$0x3FB7] =	sst s9;
	s0 =	simm.s32 @!p0 $0x0  }
0x12: {  	s1 =	sld [smem:$0x3F9D];
	s0 =	simm.s32 @p0 $0x1  }
0x13: {  	[smem:$0x3FB8] =	sst s0;
	s0 =	simm.s32 @!p1 $0x0  }
0x14: {  	s2 =	sld [smem:$0x3F9C];
	s0 =	simm.s32 @p1 $0x1  }
0x15: {  	[smem:$0x3FB9] =	sst s0;
	s0 =	simm.s32 @!p2 $0x0  }
0x16: {  	s3 =	sld [smem:$0x3FDB];
	s0 =	simm.s32 @p2 $0x1  }
0x17: {  	s4 =	simm.s32 $0x1BF5;
	[smem:$0x3FBB] =	sst s0  }
0x18: {  	s0 =	sld [smem:$0x3F9E];
	_ =	swait.ge [sflag:s4], $0x0  }
0x19: {  	s7 =	sld [smem:$0x3F9F]  }
0x1a: {  	s8 =	sadd.s32 $0xFFFFE003, lr  }
0x1b: {  	s9 =	sadd.s32 $0xFFFFFEF7, lr;
	s5 =	simm.s32 $0xFFFFFFFF;
	p2 =	slt.u32 s8, $0xFFFFF086  }
0x1c: {  	p1 =	slt.u32 s9, $0xF7A;
	s5 =	simm.s32 @!p2 $0x0  }
0x1d: {  	s5 =	simm.s32 @p1 $0x1;
	p0 =	seq.s32 s7, s2  }
0x1e: {  	s7 =	smul.u32 @!p0 $0xF7A, s2;
	p2 =	seq.s32 @!p0 s5, $0x0  }
0x1f: {  	s9 =	smul.u32 $0xF7A, s1;
	s8 =	simm.s32 @!p0 $0x1BF5;
	p2 =	por !p2, p0  }
0x20: {  	[sflag:s8] =	ssyncset.s32 @!p0 $0xFFFFF086;
	s6 =	sadd.s32 @!p0 s3, s7;
	s7 =	simm.s32 @!p0 $0x108  }
0x21: {  	s3 =	sadd.s32 s3, s9;
	s6 =	sadd.s32 @!p0 $0x88, s6;
	s7 =	simm.s32 @p2 $0x1082  }
0x22: {  	[simem:s7], [sflag:s8] =	dma.local @!p0 [hbm:s6], $0xF7A  }
0x23: {  	s9 =	sor.u32 $0xD0000000, s2;
	s6 =	simm.s32 $0x108;
	_ =	swait.ge @!p0 [sflag:s8], $0x0  }
0x24: {  	s3 =	sadd.s32 $0x88, s3;
	s6 =	simm.s32 @!p1 $0x1082;
	[sflag:s4] =	ssyncset.s32 $0xFFFFF086  }
0x25: {  	[simem:s6], [sflag:s4] =	dma.local [hbm:s3], $0xF7A  }
0x26: {  	[smem:$0x3F9F] =	sst s1;
	(tag) =	ssettag s2;
	_ =	strace s9  }
0x27: {  	s1 =	sld [smem:$0x3FAF]  }
0x28: {  	s2 =	sld [smem:$0x3FB0]  }
0x29: {  	s4 =	sld [smem:$0x3FB2]  }
0x2a: {  	p0 =	seq.s32 s5, $0x0;
	s5 =	sld [smem:$0x3FB3]  }
0x2b: {  	s6 =	sld [smem:$0x3FB4]  }
0x2c: {  	s7 =	sld [smem:$0x3FB5]  }
0x2d: {  	s3 =	simm.s32 $0x108;
	s8 =	sld [smem:$0x3FB6]  }
0x2e: {  	s3 =	simm.s32 @!p0 $0x1082;
	s9 =	sld [smem:$0x3FB7]  }
0x2f: {  	lr =	sadd.s32 s0, s3;
	s0 =	sld [smem:$0x3FAE]  }
0x30: {  	s3 =	sld [smem:$0x3FB1]  }
0x31: {  	[smem:$0x3FBA] =	sst s10  }
0x32: {  	s10 =	sld [smem:$0x3FB8];
	_ =	sdelay $0x3  }
0x33: {  	p0 =	seq.s32 s10, $0x1;
	s10 =	sld [smem:$0x3FBA];
	_ =	sdelay $0x3  }
0x34: {  	[smem:$0x3FBA] =	sst s10  }
0x35: {  	s10 =	sld [smem:$0x3FB9];
	_ =	sdelay $0x3  }
0x36: {  	p1 =	seq.s32 s10, $0x1;
	s10 =	sld [smem:$0x3FBA];
	_ =	sdelay $0x3  }
0x37: {  	[smem:$0x3FBA] =	sst s10  }
0x38: {  	s10 =	sld [smem:$0x3FBB]  }
0x39: {  	_ = 	snop;
	(pc) =	sbr.ind lr, $3  }
0x3a: {  	_ = 	snop  }
0x3b: {  	_ = 	snop  }
0x3c: {  	p2 =	seq.s32 s10, $0x1;
	s10 =	sld [smem:$0x3FBA]  }
0x3d: {  	_ =	shalt  }
0x3e: {  	_ =	shalt  }
0x3f: {  	_ =	shalt  }
0x40: {  	_ =	shalt  }
0x41: {  	_ =	shalt  }
0x42: {  	_ =	shalt  }
0x43: {  	_ =	shalt  }
0x44: {  	_ =	shalt  }
0x45: {  	_ =	shalt  }
0x46: {  	_ =	shalt  }
0x47: {  	_ =	shalt  }
0x48: {  	_ =	shalt  }
0x49: {  	_ =	shalt  }
0x4a: {  	_ =	shalt  }
0x4b: {  	_ =	shalt  }
0x4c: {  	_ =	shalt  }
0x4d: {  	_ =	shalt  }
0x4e: {  	_ =	shalt  }
0x4f: {  	_ =	shalt  }
0x50: {  	_ =	shalt  }
0x51: {  	_ =	shalt  }
0x52: {  	_ =	shalt  }
0x53: {  	_ =	shalt  }
0x54: {  	_ =	shalt  }
0x55: {  	_ =	shalt  }
0x56: {  	_ =	shalt  }
0x57: {  	_ =	shalt  }
0x58: {  	_ =	shalt  }
0x59: {  	_ =	shalt  }
0x5a: {  	_ =	shalt  }
0x5b: {  	_ =	shalt  }
0x5c: {  	_ =	shalt  }
0x5d: {  	_ =	shalt  }
0x5e: {  	_ =	shalt  }
0x5f: {  	_ =	shalt  }
0x60: {  	_ =	shalt  }
0x61: {  	_ =	shalt  }
0x62: {  	_ =	shalt  }
0x63: {  	_ =	shalt  }
0x64: {  	_ =	shalt  }
0x65: {  	_ =	shalt  }
0x66: {  	_ =	shalt  }
0x67: {  	_ =	shalt  }
0x68: {  	_ =	shalt  }
0x69: {  	_ =	shalt  }
0x6a: {  	_ =	shalt  }
0x6b: {  	_ =	shalt  }
0x6c: {  	_ =	shalt  }
0x6d: {  	_ =	shalt  }
0x6e: {  	_ =	shalt  }
0x6f: {  	_ =	shalt  }
0x70: {  	_ =	shalt  }
0x71: {  	_ =	shalt  }
0x72: {  	_ =	shalt  }
0x73: {  	_ =	shalt  }
0x74: {  	_ =	shalt  }
0x75: {  	_ =	shalt  }
0x76: {  	_ =	shalt  }
0x77: {  	_ =	shalt  }
0x78: {  	_ =	shalt  }
0x79: {  	_ =	shalt  }
0x7a: {  	_ =	shalt  }
0x7b: {  	_ =	shalt  }
0x7c: {  	_ =	shalt  }
0x7d: {  	_ =	shalt  }
0x7e: {  	_ =	shalt  }
0x7f: {  	_ =	shalt  }
0x80: {  	_ =	shalt  }
0x81: {  	_ =	shalt  }
0x82: {  	_ =	shalt  }
0x83: {  	_ =	shalt  }
0x84: {  	_ =	shalt  }
0x85: {  	_ =	shalt  }
0x86: {  	_ =	shalt  }
0x87: {  	_ =	shalt  }
.Lfunc_end0:
.L_simem_size_0:
called_computation_lowered:
.L_overlay_start_0:
0x88: {  	s2 =	sld [smem:$0x3FD9]  }
0x89: {  	s3 =	sld [smem:$0x3FFE];
	_ =	sdelay $0x1  }
0x8a: {  	s1 =	srdreg.scid  }
0x8b: {  	s0 =	sand.u32 $0x1, s1  }
0x8c: {  	s16 =	sshll.u32 s0, $0xA;
	s2 =	sadd.s32 s3, s2  }
0x8d: {  	s2 =	sadd.s32 s2, s16  }
0x8e: {  	[smem:$0x3FC6] =	sst s2  }
0x8f: {  	_ = 	snop  }
0x90: {  	(tm) =	ssettm $0x1  }
0x91: {  	s17 =	sld [smem:$0x3FFB];
	_ =	sdelay $0x3  }
0x92: {  	_ =	strace s17  }
0x93: {  	s2 =	sld [smem:$0x3FFC];
	_ =	sdelay $0x3  }
0x94: {  	_ =	strace s2  }
0x95: {  	s2 =	sld [smem:$0x3FFD];
	_ =	sdelay $0x3  }
0x96: {  	_ =	strace s2  }
0x97: {  	_ =	strace $0x8FFFFFFF  }
0x98: {  	s18 =	sld [smem:$0x3FDB];
	_ =	sdelay $0x1  }
0x99: {  	s19 =	simm.s32 $_scs_section_size  }
0x9a: {  	s4 =	simm.s32 $_size__tile_overlayer_lowered;
	s5 =	simm.s32 $_tile_overlayer_lowered  }
0x9b: {  	s22 =	simm.s32 $0x1BFF;
	s21 =	sshll.u32 s5, $0x1;
	s2 =	sadd.s32 s19, s18  }
0x9c: {  	s6 =	simm.s32 $0x0;
	s20 =	sshll.u32 s4, $0x1;
	s4 =	sadd.s32 s21, s2  }
0x9d: {  	[timem:s6], [sflag:s22] =	dma.local [hbm:s4], s20  }
0x9e: {  	_ =	swait.ge [sflag:s22], s20  }
0x9f: {  	s3 =	ssub.s32 $0x0, s20;
	[sflag:s22] =	ssyncset.done $0x0  }
0xa0: {  	[sflag:s22] =	ssyncadd.s32 s3;
	_ =	sdelay $0x1  }
0xa1: {  	s23 =	simm.s32 $0x1B8B  }
0xa2: {  	_ =	swait.ge [sflag:s23], $0x1  }
0xa3: {  	[sflag:s23] =	ssyncset.done $0x0  }
0xa4: {  	s25 =	simm.s32 $0x1B8E;
	s24 =	sld [smem:$0x3FFE];
	[sflag:s23] =	ssyncadd.s32 $0xFFFFFFFF  }
0xa5: {  	s26 =	simm.s32 $execute0_lowered;
	[smem:$0x3FD2] =	sst s25  }
0xa6: {  	s4 =	sshll.u32 s26, $0x1;
	_ =	strace $0x80000046;
	[dreg:$0x1] =	wrdreg $0xFFFFFFFF  }
0xa7: {  	s28 =	simm.s32 $_size_execute0_lowered;
	s2 =	sadd.s32 s2, s4;
	[dreg:$0x0] =	wrdreg $0x0  }
0xa8: {  	s4 =	sshll.u32 s28, $0x1;
	[dreg:$0x2] =	wrdreg s2  }
0xa9: {  	[dreg:$0x3] =	wrdreg s4  }
0xaa: {  	[dreg:$0x4] =	wrdreg $0xC0  }
0xab: {  	_ =	task [dreg:s6], $0x5FFFF  }
0xac: {  	[dreg:$0x1] =	wrdreg $0xFFFFFFFF  }
0xad: {  	[dreg:$0x0] =	wrdreg $0x60  }
0xae: {  	[dreg:$0x2] =	wrdreg s24  }
0xaf: {  	[dreg:$0x3] =	wrdreg $0x9  }
0xb0: {  	_ =	task.clear_ibuf [dreg:s6], $0x4FFFF;
	_ =	strace $0x90000046  }
0xb1: {  	s29 =	simm.s32 $0x9;
	_ =	strace $0x80000048  }
0xb2: {  	_ =	swait.ge [sflag:s29], $0x1  }
0xb3: {  	[sflag:s29] =	ssyncadd.s32 $0xFFFFFFFF  }
0xb4: {  	_ =	strace $0x90000048  }
0xb5: {  	_ =	sfence  }
0xb6: {  	s30 =	sld [smem:$0x0];
	_ =	sdelay $0x2  }
0xb7: {  	s31 =	sshll.u32 s1, $0xD;
	s1 =	sshrl.u32 s1, $0x2  }
0xb8: {  	s3 =	sand.u32 $0x4000, s31;
	s1 =	sadd.s32 s1, s30  }
0xb9: {  	s0 =	sor.u32 s3, s0;
	s1 =	sshll.u32 s1, $0x11  }
0xba: {  	s0 =	sor.u32 s1, s0  }
0xbb: {  	s0 =	sadd.s32 $0x8F2B, s0  }
0xbc: {  	[sflag:s0] =	ssyncadd.remote.s32 $0x1  }
0xbd: {  	_ =	sfence.sel $0xFFFF  }
0xbe: {  	[dreg:$0x0] =	wrdreg $0xFFFFFFFF;
	(pc) =	sbr.abs _section_cstart, $3  }
0xbf: {  	[dreg:$0x1] =	wrdreg $0xFFFFFFFF  }
0xc0: {  	_ =	task.clear_ibuf [dreg:s6], $0x2FFFF;
	_ =	strace $0x9FFFFFFF  }
0xc1: {  	(tm) =	ssettm $0x7FFFFFFF  }
tec
execute0_lowered:
.L_overlay_start_1:
0x0: {  	(tag) =	ssettag $0x1  }
0x1: {  	s1 =	srdreg.scid;
	s0 =	stileid.u32  }
0x2: {  	s2 =	rddreg [dreg:$0x0];
	s3 =	simm.s32 $0x0;
	s8 =	simm.s32 $0x5  }
0x3: {  	s9 =	simm.s32 $0x2800;
	s10 =	simm.s32 $0x80;
	s11 =	simm.s32 $0x7800  }
0x4: {  	s12 =	simm.s32 $0x9800;
	s13 =	simm.s32 $0xB800;
	s14 =	simm.s32 $0xD800  }
0x5: {  	s15 =	simm.s32 $0x1;
	s16 =	simm.s32 $0x2;
	s17 =	simm.s32 $0x3  }
0x6: {  	s18 =	simm.s32 $0x4;
	s4 =	sand.u32 $0x1, s1;
	s30 =	sshll.u32 s0, $0x1  }
0x7: {  	s19 =	simm.s32 $0x5000;
	s5 =	sor.u32 s4, s30;
	s4 =	ssub.s32 $0x2, s4  }
0x8: {  	s1 =	rddreg [dreg:$0x1];
	s5 =	smul.u32 $0x500, s5;
	s31 =	sshrl.u32 s4, $0x1  }
0x9: {  	s20 =	simm.s32 $0x0;
	[smem:$0x7FF] =	sst s3;
	s7 =	ssub.s32 s4, s31  }
0xa: {  	v0 =	vlaneseq.u32;
	_ =	strace $0x80000047;
	s6 =	sadd.s32 s5, s2;
	s7 =	smax.u32 s7, $0x1  }
0xb: {  	v0 =	vmul.u32 $0x40, v0;
	s4 =	sadd.s32 $0x13A00, s6;
	s5 =	sadd.s32 $0x1DA00, s6;
	s6 =	sadd.s32 $0x27A00, s6  }
.LBB2_1:
0xc: {  	[tilespmem:s3], [sflag:$0x5] =	stream.linear.gather [hbm4b:s4+s3], $0x2800, $0x38;
	[tilespmem:$0xF800] =	vst v63  }
0xd: {  	_ =	swait.ge [sflag:s8], $0x2800  }
0xe: {  	[sflag:s8] =	ssyncset.done $0x0  }
0xf: {  	[sflag:s8] =	ssyncadd.s32 $0xFFFFD800  }
0x10: {  	[tilespmem:s9], [sflag:$0x5] =	stream.linear.gather [hbm4b:s5+s3], $0x2800, $0x38;
	[tilespmem:$0xF800] =	vst v63  }
0x11: {  	_ =	swait.ge [sflag:s8], $0x2800  }
0x12: {  	[sflag:s8] =	ssyncset.done $0x0  }
0x13: {  	[sflag:s8] =	ssyncadd.s32 $0xFFFFD800  }
0x14: {  	[tilespmem:s11], [sflag:$0x1] =	stream.indirect.gather [hbm4b:s2+s10], $0x40, s3, s10, $0xb8;
	[tilespmem:$0xF800] =	vst v63  }
0x15: {  	s21 =	simm.s32 $0x0  }
0x16: {  	[tilespmem:s12], [sflag:$0x2] =	stream.indirect.gather [hbm4b:s2+s10], $0x40, s9, s10, $0xb8;
	[tilespmem:$0xF800] =	vst v63  }
.LBB2_2:
0x17: {  	s22 =	sshllo.u32 s21, $0x1  }
0x18: {  	s22 =	sshll.u32 s22, $0x7  }
0x19: {  	[tilespmem:s13], [sflag:$0x3] =	stream.indirect.gather [hbm4b:s2+s10], $0x40, s22, s10, $0xb8;
	[tilespmem:$0xF800] =	vst v63  }
0x1a: {  	s23 =	sadd.s32 $0x2800, s22  }
0x1b: {  	[tilespmem:s14], [sflag:$0x4] =	stream.indirect.gather [hbm4b:s2+s10], $0x40, s23, s10, $0xb8;
	[tilespmem:$0xF800] =	vst v63  }
0x1c: {  	_ =	swait.ge [sflag:s15], $0x2000  }
0x1d: {  	[sflag:s15] =	ssyncset.done $0x0  }
0x1e: {  	s31 =	sshll.u32 s21, $0x8;
	[sflag:s15] =	ssyncadd.s32 $0xFFFFE000  }
0x1f: {  	s23 =	sand.u32 $0x3FFFFF00, s31;
	_ =	swait.ge [sflag:s16], $0x2000  }
0x20: {  	s24 =	sadd.s32 $0x5000, s23;
	[sflag:s16] =	ssyncset.done $0x0  }
0x21: {  	s23 =	simm.s32 $0x0;
	v1 =	vmov s24;
	[sflag:s16] =	ssyncadd.s32 $0xFFFFE000  }
.LBB2_3:
0x22: {  	s24 =	sshll.u32 s23, $0x4  }
0x23: {  	v2 =	vmov s24  }
0x24: {  	v2 =	vshll.u32 v2, $0x6  }
0x25: {  	v3 =	vimm.s32 $0x0;
	v2 =	vor.u32 v0, v2  }
0x26: {  	v4 =	vadd.s32 v2, v3;
	_ =	sdelay $0x3  }
0x27: {  	v5 =	vor.u32 $0x1, v4  }
0x28: {  	v6 =	vld.idx.msk [tilespmem:v4+s11+$0x0], $0xffff  }
0x29: {  	v7 =	vld.idx.msk [tilespmem:v4+s12+$0x0], $0xffff;
	_ =	sdelay $0x1  }
0x2a: {  	v8 =	vor.u32 $0x2, v4  }
0x2b: {  	v9 =	vld.idx.msk [tilespmem:v5+s11+$0x0], $0xffff  }
0x2c: {  	v5 =	vld.idx.msk [tilespmem:v5+s12+$0x0], $0xffff  }
0x2d: {  	v10 =	vshll.u32 v6, $0x10;
	v11 =	vshll.u32 v7, $0x10  }
0x2e: {  	v12 =	vor.u32 $0x3, v4;
	v10 =	vmul.f32 v11, v10  }
0x2f: {  	v13 =	vld.idx.msk [tilespmem:v8+s11+$0x0], $0xffff;
	v6 =	vand.u32 $0xFFFF0000, v6;
	v7 =	vand.u32 $0xFFFF0000, v7;
	v11 =	vimm.f32 $0.0e+00  }
0x30: {  	v8 =	vld.idx.msk [tilespmem:v8+s12+$0x0], $0xffff;
	v6 =	vmul.f32 v7, v6;
	v10 =	vadd.f32 v10, v11  }
0x31: {  	v7 =	vshll.u32 v9, $0x10;
	v11 =	vshll.u32 v5, $0x10  }
0x32: {  	v14 =	vor.u32 $0x4, v4;
	v7 =	vmul.f32 v11, v7;
	v6 =	vadd.f32 v10, v6  }
0x33: {  	v9 =	vand.u32 $0xFFFF0000, v9;
	v5 =	vand.u32 $0xFFFF0000, v5;
	v11 =	vld.idx.msk [tilespmem:v12+s12+$0x0], $0xffff  }
0x34: {  	v5 =	vmul.f32 v5, v9;
	v10 =	vld.idx.msk [tilespmem:v12+s11+$0x0], $0xffff;
	v6 =	vadd.f32 v7, v6  }
0x35: {  	v9 =	vshll.u32 v8, $0x10;
	v7 =	vshll.u32 v13, $0x10  }
0x36: {  	v12 =	vor.u32 $0x5, v4;
	v5 =	vadd.f32 v6, v5;
	v6 =	vmul.f32 v9, v7  }
0x37: {  	v8 =	vand.u32 $0xFFFF0000, v8;
	v7 =	vld.idx.msk [tilespmem:v14+s11+$0x0], $0xffff;
	v9 =	vand.u32 $0xFFFF0000, v13  }
0x38: {  	v13 =	vld.idx.msk [tilespmem:v14+s12+$0x0], $0xffff;
	v5 =	vadd.f32 v6, v5;
	v6 =	vmul.f32 v8, v9  }
0x39: {  	v8 =	vshll.u32 v10, $0x10;
	v9 =	vshll.u32 v11, $0x10  }
0x3a: {  	v14 =	vor.u32 $0x6, v4;
	v9 =	vmul.f32 v9, v8;
	v6 =	vadd.f32 v5, v6  }
0x3b: {  	v10 =	vand.u32 $0xFFFF0000, v10;
	v11 =	vand.u32 $0xFFFF0000, v11;
	v8 =	vld.idx.msk [tilespmem:v12+s12+$0x0], $0xffff  }
0x3c: {  	v5 =	vld.idx.msk [tilespmem:v12+s11+$0x0], $0xffff;
	v6 =	vadd.f32 v9, v6;
	v9 =	vmul.f32 v11, v10  }
0x3d: {  	v12 =	vshll.u32 v13, $0x10;
	v11 =	vshll.u32 v7, $0x10;
	v10 =	vor.u32 $0x7, v4  }
0x3e: {  	v4 =	vadd.f32 v6, v9;
	v9 =	vmul.f32 v12, v11  }
0x3f: {  	v7 =	vand.u32 $0xFFFF0000, v7;
	v11 =	vand.u32 $0xFFFF0000, v13;
	v6 =	vld.idx.msk [tilespmem:v14+s11+$0x0], $0xffff  }
0x40: {  	v7 =	vmul.f32 v11, v7;
	v12 =	vadd.f32 v9, v4;
	v9 =	vld.idx.msk [tilespmem:v14+s12+$0x0], $0xffff  }
0x41: {  	v13 =	vshll.u32 v5, $0x10;
	v4 =	vadd.s32 $0x8, v3;
	v14 =	vshll.u32 v8, $0x10  }
0x42: {  	s25 =	simm.s32 $0x6;
	v3 =	vadd.s32 v2, v4;
	v11 =	vadd.f32 v12, v7;
	v12 =	vmul.f32 v14, v13;
	v7 =	vld.idx.msk [tilespmem:v10+s11+$0x0], $0xffff  }
.LBB2_4:
0x43: {  	p0 =	sne.s32 s25, $0x1;
	v5 =	vand.u32 $0xFFFF0000, v5;
	v8 =	vand.u32 $0xFFFF0000, v8;
	v10 =	vld.idx.msk [tilespmem:v10+s12+$0x0], $0xffff  }
0x44: {  	v11 =	vadd.f32 v12, v11;
	v5 =	vmul.f32 v8, v5  }
0x45: {  	v8 =	vor.u32 $0x1, v3;
	v12 =	vshll.u32 v6, $0x10;
	v13 =	vshll.u32 v9, $0x10  }
0x46: {  	v14 =	vld.idx.msk [tilespmem:v3+s11+$0x0], $0xffff;
	v5 =	vadd.f32 v11, v5;
	v11 =	vmul.f32 v13, v12  }
0x47: {  	v6 =	vand.u32 $0xFFFF0000, v6;
	v9 =	vand.u32 $0xFFFF0000, v9;
	v12 =	vld.idx.msk [tilespmem:v3+s12+$0x0], $0xffff  }
0x48: {  	v6 =	vmul.f32 v9, v6;
	v5 =	vadd.f32 v11, v5  }
0x49: {  	v9 =	vor.u32 $0x2, v3;
	v11 =	vshll.u32 v7, $0x10;
	v13 =	vshll.u32 v10, $0x10  }
0x4a: {  	v15 =	vld.idx.msk [tilespmem:v8+s11+$0x0], $0xffff;
	v5 =	vadd.f32 v5, v6;
	v6 =	vmul.f32 v13, v11  }
0x4b: {  	v7 =	vand.u32 $0xFFFF0000, v7;
	v10 =	vand.u32 $0xFFFF0000, v10;
	v8 =	vld.idx.msk [tilespmem:v8+s12+$0x0], $0xffff  }
0x4c: {  	v5 =	vadd.f32 v6, v5;
	v6 =	vmul.f32 v10, v7  }
0x4d: {  	v11 =	vor.u32 $0x3, v3;
	v7 =	vshll.u32 v14, $0x10;
	v10 =	vshll.u32 v12, $0x10  }
0x4e: {  	v7 =	vmul.f32 v10, v7;
	v10 =	vld.idx.msk [tilespmem:v9+s11+$0x0], $0xffff;
	v5 =	vadd.f32 v5, v6  }
0x4f: {  	v12 =	vand.u32 $0xFFFF0000, v12;
	v6 =	vand.u32 $0xFFFF0000, v14;
	v9 =	vld.idx.msk [tilespmem:v9+s12+$0x0], $0xffff  }
0x50: {  	v6 =	vmul.f32 v12, v6;
	v5 =	vadd.f32 v7, v5  }
0x51: {  	v13 =	vor.u32 $0x4, v3;
	v7 =	vshll.u32 v15, $0x10;
	v12 =	vshll.u32 v8, $0x10  }
0x52: {  	v5 =	vadd.f32 v5, v6;
	v6 =	vmul.f32 v12, v7;
	v7 =	vld.idx.msk [tilespmem:v11+s11+$0x0], $0xffff  }
0x53: {  	v8 =	vand.u32 $0xFFFF0000, v8;
	v12 =	vand.u32 $0xFFFF0000, v15;
	v11 =	vld.idx.msk [tilespmem:v11+s12+$0x0], $0xffff  }
0x54: {  	v5 =	vadd.f32 v6, v5;
	v6 =	vmul.f32 v8, v12  }
0x55: {  	v14 =	vor.u32 $0x5, v3;
	v8 =	vshll.u32 v10, $0x10;
	v12 =	vshll.u32 v9, $0x10  }
0x56: {  	v5 =	vadd.f32 v5, v6;
	v6 =	vmul.f32 v12, v8;
	v12 =	vld.idx.msk [tilespmem:v13+s11+$0x0], $0xffff  }
0x57: {  	v9 =	vand.u32 $0xFFFF0000, v9;
	v8 =	vand.u32 $0xFFFF0000, v10;
	v13 =	vld.idx.msk [tilespmem:v13+s12+$0x0], $0xffff  }
0x58: {  	v5 =	vadd.f32 v6, v5;
	v6 =	vmul.f32 v9, v8  }
0x59: {  	v15 =	vor.u32 $0x6, v3;
	v8 =	vshll.u32 v7, $0x10;
	v9 =	vshll.u32 v11, $0x10  }
0x5a: {  	v9 =	vmul.f32 v9, v8;
	v6 =	vadd.f32 v5, v6;
	v5 =	vld.idx.msk [tilespmem:v14+s11+$0x0], $0xffff  }
0x5b: {  	v7 =	vand.u32 $0xFFFF0000, v7;
	v10 =	vand.u32 $0xFFFF0000, v11;
	v8 =	vld.idx.msk [tilespmem:v14+s12+$0x0], $0xffff  }
0x5c: {  	v7 =	vmul.f32 v10, v7;
	v6 =	vadd.f32 v9, v6  }
0x5d: {  	v10 =	vor.u32 $0x7, v3;
	v9 =	vshll.u32 v12, $0x10;
	v11 =	vshll.u32 v13, $0x10  }
.Ltmp0:
0x5e: {  	v3 =	vadd.f32 v6, v7;
	v7 =	vmul.f32 v11, v9;
	v6 =	vld.idx.msk [tilespmem:v15+s11+$0x0], $0xffff;
	(pc) =	sbr.rel @p0 .LBB2_4-.Ltmp0, $4  }
0x5f: {  	v11 =	vand.u32 $0xFFFF0000, v12;
	v12 =	vand.u32 $0xFFFF0000, v13;
	v9 =	vld.idx.msk [tilespmem:v15+s12+$0x0], $0xffff  }
0x60: {  	v4 =	vadd.s32 $0x8, v4;
	v11 =	vmul.f32 v12, v11;
	v7 =	vadd.f32 v7, v3  }
0x61: {  	v12 =	vshll.u32 v5, $0x10;
	v3 =	vadd.s32 v2, v4;
	v13 =	vshll.u32 v8, $0x10  }
0x62: {  	s25 =	sadd.s32 $0xFFFFFFFF, s25;
	v12 =	vmul.f32 v13, v12;
	v11 =	vadd.f32 v7, v11;
	v7 =	vld.idx.msk [tilespmem:v10+s11+$0x0], $0xffff  }
0x63: {  	_ =	sdelay $0x2  }
0x64: {  	v2 =	vand.u32 $0xFFFF0000, v5;
	v4 =	vand.u32 $0xFFFF0000, v8  }
0x65: {  	v42 =	vld.idx.msk [tilespmem:v10+s12+$0x0], $0xffff;
	v43 =	vadd.f32 v12, v11;
	v2 =	vmul.f32 v4, v2  }
0x66: {  	v44 =	vshll.u32 v6, $0x10;
	v45 =	vshll.u32 v9, $0x10  }
0x67: {  	v46 =	vor.u32 $0x1, v3;
	v4 =	vmul.f32 v45, v44;
	v2 =	vadd.f32 v43, v2  }
0x68: {  	v47 =	vld.idx.msk [tilespmem:v3+s11+$0x0], $0xffff;
	v48 =	vand.u32 $0xFFFF0000, v6;
	v49 =	vand.u32 $0xFFFF0000, v9  }
0x69: {  	v50 =	vld.idx.msk [tilespmem:v3+s12+$0x0], $0xffff;
	v51 =	vmul.f32 v49, v48;
	v2 =	vadd.f32 v4, v2  }
0x6a: {  	v52 =	vshll.u32 v7, $0x10;
	v53 =	vshll.u32 v42, $0x10  }
0x6b: {  	v54 =	vor.u32 $0x2, v3;
	v55 =	vmul.f32 v53, v52;
	v2 =	vadd.f32 v2, v51  }
0x6c: {  	v57 =	vand.u32 $0xFFFF0000, v7;
	v56 =	vld.idx.msk [tilespmem:v46+s11+$0x0], $0xffff;
	v5 =	vand.u32 $0xFFFF0000, v42  }
0x6d: {  	v58 =	vld.idx.msk [tilespmem:v46+s12+$0x0], $0xffff;
	v59 =	vmul.f32 v5, v57;
	v2 =	vadd.f32 v55, v2  }
0x6e: {  	v60 =	vshll.u32 v47, $0x10;
	v61 =	vshll.u32 v50, $0x10  }
0x6f: {  	v62 =	vor.u32 $0x3, v3;
	v5 =	vmul.f32 v61, v60;
	v2 =	vadd.f32 v2, v59  }
0x70: {  	v63 =	vld.idx.msk [tilespmem:v54+s11+$0x0], $0xffff;
	v14 =	vand.u32 $0xFFFF0000, v47;
	v15 =	vand.u32 $0xFFFF0000, v50  }
0x71: {  	v16 =	vld.idx.msk [tilespmem:v54+s12+$0x0], $0xffff;
	v17 =	vmul.f32 v15, v14;
	v2 =	vadd.f32 v5, v2  }
0x72: {  	v18 =	vshll.u32 v56, $0x10;
	v19 =	vshll.u32 v58, $0x10  }
0x73: {  	v20 =	vor.u32 $0x4, v3;
	v21 =	vmul.f32 v19, v18;
	v2 =	vadd.f32 v2, v17  }
0x74: {  	v22 =	vld.idx.msk [tilespmem:v62+s11+$0x0], $0xffff;
	v6 =	vand.u32 $0xFFFF0000, v56;
	v23 =	vand.u32 $0xFFFF0000, v58  }
0x75: {  	v24 =	vld.idx.msk [tilespmem:v62+s12+$0x0], $0xffff;
	v25 =	vmul.f32 v23, v6;
	v2 =	vadd.f32 v21, v2  }
0x76: {  	v26 =	vshll.u32 v63, $0x10;
	v27 =	vshll.u32 v16, $0x10  }
0x77: {  	v28 =	vor.u32 $0x5, v3;
	v29 =	vmul.f32 v27, v26;
	v2 =	vadd.f32 v2, v25  }
0x78: {  	v30 =	vld.idx.msk [tilespmem:v20+s11+$0x0], $0xffff;
	v4 =	vand.u32 $0xFFFF0000, v63;
	v31 =	vand.u32 $0xFFFF0000, v16  }
0x79: {  	v32 =	vld.idx.msk [tilespmem:v20+s12+$0x0], $0xffff;
	v4 =	vmul.f32 v31, v4;
	v2 =	vadd.f32 v29, v2  }
0x7a: {  	v33 =	vshll.u32 v22, $0x10;
	v34 =	vshll.u32 v24, $0x10  }
0x7b: {  	v35 =	vor.u32 $0x6, v3;
	v36 =	vmul.f32 v34, v33;
	v2 =	vadd.f32 v2, v4  }
0x7c: {  	v37 =	vld.idx.msk [tilespmem:v28+s11+$0x0], $0xffff;
	v7 =	vand.u32 $0xFFFF0000, v22;
	v38 =	vand.u32 $0xFFFF0000, v24  }
0x7d: {  	v39 =	vld.idx.msk [tilespmem:v28+s12+$0x0], $0xffff;
	v40 =	vmul.f32 v38, v7;
	v2 =	vadd.f32 v36, v2  }
0x7e: {  	v41 =	vshll.u32 v30, $0x10;
	v42 =	vshll.u32 v32, $0x10  }
0x7f: {  	v3 =	vor.u32 $0x7, v3;
	v43 =	vmul.f32 v42, v41;
	v2 =	vadd.f32 v2, v40  }
0x80: {  	v44 =	vld.idx.msk [tilespmem:v35+s11+$0x0], $0xffff;
	v45 =	vand.u32 $0xFFFF0000, v32;
	v6 =	vand.u32 $0xFFFF0000, v30  }
0x81: {  	v46 =	vld.idx.msk [tilespmem:v35+s12+$0x0], $0xffff;
	v47 =	vmul.f32 v45, v6;
	v2 =	vadd.f32 v43, v2  }
0x82: {  	v48 =	vshll.u32 v37, $0x10;
	v49 =	vshll.u32 v39, $0x10  }
0x83: {  	v50 =	vmul.f32 v49, v48;
	v2 =	vadd.f32 v2, v47  }
0x84: {  	v51 =	vld.idx.msk [tilespmem:v3+s11+$0x0], $0xffff;
	v52 =	vand.u32 $0xFFFF0000, v39;
	v5 =	vand.u32 $0xFFFF0000, v37  }
0x85: {  	v3 =	vld.idx.msk [tilespmem:v3+s12+$0x0], $0xffff;
	v53 =	vmul.f32 v52, v5;
	v2 =	vadd.f32 v50, v2  }
0x86: {  	v54 =	vshll.u32 v44, $0x10;
	v55 =	vshll.u32 v46, $0x10  }
0x87: {  	v56 =	vmul.f32 v55, v54;
	v2 =	vadd.f32 v2, v53  }
0x88: {  	v57 =	vand.u32 $0xFFFF0000, v44;
	v58 =	vand.u32 $0xFFFF0000, v46  }
0x89: {  	v59 =	vmul.f32 v58, v57;
	v2 =	vadd.f32 v56, v2  }
0x8a: {  	v60 =	vshll.u32 v51, $0x10;
	v61 =	vshll.u32 v3, $0x10  }
0x8b: {  	s23 =	sadd.s32 $0x1, s23;
	v62 =	vmul.f32 v61, v60;
	v2 =	vadd.f32 v2, v59  }
0x8c: {  	p0 =	sne.s32 s23, $0x8;
	v63 =	vand.u32 $0xFFFF0000, v51;
	v3 =	vand.u32 $0xFFFF0000, v3  }
.Ltmp1:
0x8d: {  	v3 =	vmul.f32 v3, v63;
	v2 =	vadd.f32 v62, v2;
	(pc) =	sbr.rel @p0 .LBB2_3-.Ltmp1, $3  }
0x8e: {  	_ = 	snop  }
0x8f: {  	v2 =	vadd.f32 v2, v3;
	_ =	sdelay $0x1  }
0x90: {  	[tilespmem:v1+s24+$0x0 ss:$0x1] =	vst.idx.msk $0xffff, v2  }
0x91: {  	p0 =	seq.s32 s21, $0x27  }
0x92: {  	s23 =	sshll.u32 @!p0 s21, $0x8  }
0x93: {  	s25 =	simm.s32 @!p0 $0x80;
	s26 =	simm.s32 @!p0 $0x7800;
	s24 =	sadd.s32 @!p0 $0x100, s23  }
0x94: {  	[tilespmem:s26], [sflag:$0x1] =	stream.indirect.gather @!p0 [hbm4b:s2+s25], $0x40, s24, s25, $0xb8;
	[tilespmem:$0xF800] =	vst v63  }
0x95: {  	s23 =	sadd.s32 @!p0 $0x2900, s23;
	s24 =	simm.s32 @!p0 $0x9800  }
0x96: {  	[tilespmem:s24], [sflag:$0x2] =	stream.indirect.gather @!p0 [hbm4b:s2+s25], $0x40, s23, s25, $0xb8;
	[tilespmem:$0xF800] =	vst v63  }
0x97: {  	_ =	swait.ge [sflag:s17], $0x2000  }
0x98: {  	[sflag:s17] =	ssyncset.done $0x0  }
0x99: {  	[sflag:s17] =	ssyncadd.s32 $0xFFFFE000  }
0x9a: {  	s22 =	sand.u32 $0x3FFFFF80, s22;
	_ =	swait.ge [sflag:s18], $0x2000  }
0x9b: {  	s31 =	sadd.s32 $0x5000, s22;
	[sflag:s18] =	ssyncset.done $0x0  }
0x9c: {  	s22 =	simm.s32 $0x0;
	v1 =	vmov s31;
	[sflag:s18] =	ssyncadd.s32 $0xFFFFE000  }
.LBB2_7:
0x9d: {  	s23 =	sshll.u32 s22, $0x4  }
0x9e: {  	v2 =	vmov s23  }
0x9f: {  	v2 =	vshll.u32 v2, $0x6  }
0xa0: {  	v3 =	vimm.s32 $0x0;
	v2 =	vor.u32 v0, v2  }
0xa1: {  	v4 =	vadd.s32 v2, v3;
	_ =	sdelay $0x3  }
0xa2: {  	v5 =	vor.u32 $0x1, v4  }
0xa3: {  	v6 =	vld.idx.msk [tilespmem:v4+s13+$0x0], $0xffff  }
0xa4: {  	v7 =	vld.idx.msk [tilespmem:v4+s14+$0x0], $0xffff;
	_ =	sdelay $0x1  }
0xa5: {  	v8 =	vor.u32 $0x2, v4  }
0xa6: {  	v9 =	vld.idx.msk [tilespmem:v5+s13+$0x0], $0xffff  }
0xa7: {  	v5 =	vld.idx.msk [tilespmem:v5+s14+$0x0], $0xffff  }
0xa8: {  	v10 =	vshll.u32 v6, $0x10;
	v11 =	vshll.u32 v7, $0x10  }
0xa9: {  	v12 =	vor.u32 $0x3, v4;
	v10 =	vmul.f32 v11, v10  }
0xaa: {  	v13 =	vld.idx.msk [tilespmem:v8+s13+$0x0], $0xffff;
	v6 =	vand.u32 $0xFFFF0000, v6;
	v7 =	vand.u32 $0xFFFF0000, v7;
	v11 =	vimm.f32 $0.0e+00  }
0xab: {  	v8 =	vld.idx.msk [tilespmem:v8+s14+$0x0], $0xffff;
	v6 =	vmul.f32 v7, v6;
	v10 =	vadd.f32 v10, v11  }
0xac: {  	v7 =	vshll.u32 v9, $0x10;
	v11 =	vshll.u32 v5, $0x10  }
0xad: {  	v14 =	vor.u32 $0x4, v4;
	v7 =	vmul.f32 v11, v7;
	v6 =	vadd.f32 v10, v6  }
0xae: {  	v9 =	vand.u32 $0xFFFF0000, v9;
	v5 =	vand.u32 $0xFFFF0000, v5;
	v11 =	vld.idx.msk [tilespmem:v12+s14+$0x0], $0xffff  }
0xaf: {  	v5 =	vmul.f32 v5, v9;
	v10 =	vld.idx.msk [tilespmem:v12+s13+$0x0], $0xffff;
	v6 =	vadd.f32 v7, v6  }
0xb0: {  	v9 =	vshll.u32 v8, $0x10;
	v7 =	vshll.u32 v13, $0x10  }
0xb1: {  	v12 =	vor.u32 $0x5, v4;
	v5 =	vadd.f32 v6, v5;
	v6 =	vmul.f32 v9, v7  }
0xb2: {  	v8 =	vand.u32 $0xFFFF0000, v8;
	v7 =	vld.idx.msk [tilespmem:v14+s13+$0x0], $0xffff;
	v9 =	vand.u32 $0xFFFF0000, v13  }
0xb3: {  	v13 =	vld.idx.msk [tilespmem:v14+s14+$0x0], $0xffff;
	v5 =	vadd.f32 v6, v5;
	v6 =	vmul.f32 v8, v9  }
0xb4: {  	v8 =	vshll.u32 v10, $0x10;
	v9 =	vshll.u32 v11, $0x10  }
0xb5: {  	v14 =	vor.u32 $0x6, v4;
	v9 =	vmul.f32 v9, v8;
	v6 =	vadd.f32 v5, v6  }
0xb6: {  	v10 =	vand.u32 $0xFFFF0000, v10;
	v11 =	vand.u32 $0xFFFF0000, v11;
	v8 =	vld.idx.msk [tilespmem:v12+s14+$0x0], $0xffff  }
0xb7: {  	v5 =	vld.idx.msk [tilespmem:v12+s13+$0x0], $0xffff;
	v6 =	vadd.f32 v9, v6;
	v9 =	vmul.f32 v11, v10  }
0xb8: {  	v12 =	vshll.u32 v13, $0x10;
	v11 =	vshll.u32 v7, $0x10;
	v10 =	vor.u32 $0x7, v4  }
0xb9: {  	v4 =	vadd.f32 v6, v9;
	v9 =	vmul.f32 v12, v11  }
0xba: {  	v7 =	vand.u32 $0xFFFF0000, v7;
	v11 =	vand.u32 $0xFFFF0000, v13;
	v6 =	vld.idx.msk [tilespmem:v14+s13+$0x0], $0xffff  }
0xbb: {  	v7 =	vmul.f32 v11, v7;
	v12 =	vadd.f32 v9, v4;
	v9 =	vld.idx.msk [tilespmem:v14+s14+$0x0], $0xffff  }
0xbc: {  	v13 =	vshll.u32 v5, $0x10;
	v4 =	vadd.s32 $0x8, v3;
	v14 =	vshll.u32 v8, $0x10  }
0xbd: {  	s24 =	simm.s32 $0x6;
	v3 =	vadd.s32 v2, v4;
	v11 =	vadd.f32 v12, v7;
	v12 =	vmul.f32 v14, v13;
	v7 =	vld.idx.msk [tilespmem:v10+s13+$0x0], $0xffff  }
.LBB2_8:
0xbe: {  	p0 =	sne.s32 s24, $0x1;
	v5 =	vand.u32 $0xFFFF0000, v5;
	v8 =	vand.u32 $0xFFFF0000, v8;
	v10 =	vld.idx.msk [tilespmem:v10+s14+$0x0], $0xffff  }
0xbf: {  	v11 =	vadd.f32 v12, v11;
	v5 =	vmul.f32 v8, v5  }
0xc0: {  	v8 =	vor.u32 $0x1, v3;
	v12 =	vshll.u32 v6, $0x10;
	v13 =	vshll.u32 v9, $0x10  }
0xc1: {  	v14 =	vld.idx.msk [tilespmem:v3+s13+$0x0], $0xffff;
	v5 =	vadd.f32 v11, v5;
	v11 =	vmul.f32 v13, v12  }
0xc2: {  	v6 =	vand.u32 $0xFFFF0000, v6;
	v9 =	vand.u32 $0xFFFF0000, v9;
	v12 =	vld.idx.msk [tilespmem:v3+s14+$0x0], $0xffff  }
0xc3: {  	v6 =	vmul.f32 v9, v6;
	v5 =	vadd.f32 v11, v5  }
0xc4: {  	v9 =	vor.u32 $0x2, v3;
	v11 =	vshll.u32 v7, $0x10;
	v13 =	vshll.u32 v10, $0x10  }
0xc5: {  	v15 =	vld.idx.msk [tilespmem:v8+s13+$0x0], $0xffff;
	v5 =	vadd.f32 v5, v6;
	v6 =	vmul.f32 v13, v11  }
0xc6: {  	v7 =	vand.u32 $0xFFFF0000, v7;
	v10 =	vand.u32 $0xFFFF0000, v10;
	v8 =	vld.idx.msk [tilespmem:v8+s14+$0x0], $0xffff  }
0xc7: {  	v5 =	vadd.f32 v6, v5;
	v6 =	vmul.f32 v10, v7  }
0xc8: {  	v11 =	vor.u32 $0x3, v3;
	v7 =	vshll.u32 v14, $0x10;
	v10 =	vshll.u32 v12, $0x10  }
0xc9: {  	v7 =	vmul.f32 v10, v7;
	v10 =	vld.idx.msk [tilespmem:v9+s13+$0x0], $0xffff;
	v5 =	vadd.f32 v5, v6  }
0xca: {  	v12 =	vand.u32 $0xFFFF0000, v12;
	v6 =	vand.u32 $0xFFFF0000, v14;
	v9 =	vld.idx.msk [tilespmem:v9+s14+$0x0], $0xffff  }
0xcb: {  	v6 =	vmul.f32 v12, v6;
	v5 =	vadd.f32 v7, v5  }
0xcc: {  	v13 =	vor.u32 $0x4, v3;
	v7 =	vshll.u32 v15, $0x10;
	v12 =	vshll.u32 v8, $0x10  }
0xcd: {  	v5 =	vadd.f32 v5, v6;
	v6 =	vmul.f32 v12, v7;
	v7 =	vld.idx.msk [tilespmem:v11+s13+$0x0], $0xffff  }
0xce: {  	v8 =	vand.u32 $0xFFFF0000, v8;
	v12 =	vand.u32 $0xFFFF0000, v15;
	v11 =	vld.idx.msk [tilespmem:v11+s14+$0x0], $0xffff  }
0xcf: {  	v5 =	vadd.f32 v6, v5;
	v6 =	vmul.f32 v8, v12  }
0xd0: {  	v14 =	vor.u32 $0x5, v3;
	v8 =	vshll.u32 v10, $0x10;
	v12 =	vshll.u32 v9, $0x10  }
0xd1: {  	v5 =	vadd.f32 v5, v6;
	v6 =	vmul.f32 v12, v8;
	v12 =	vld.idx.msk [tilespmem:v13+s13+$0x0], $0xffff  }
0xd2: {  	v9 =	vand.u32 $0xFFFF0000, v9;
	v8 =	vand.u32 $0xFFFF0000, v10;
	v13 =	vld.idx.msk [tilespmem:v13+s14+$0x0], $0xffff  }
0xd3: {  	v5 =	vadd.f32 v6, v5;
	v6 =	vmul.f32 v9, v8  }
0xd4: {  	v15 =	vor.u32 $0x6, v3;
	v8 =	vshll.u32 v7, $0x10;
	v9 =	vshll.u32 v11, $0x10  }
0xd5: {  	v9 =	vmul.f32 v9, v8;
	v6 =	vadd.f32 v5, v6;
	v5 =	vld.idx.msk [tilespmem:v14+s13+$0x0], $0xffff  }
0xd6: {  	v7 =	vand.u32 $0xFFFF0000, v7;
	v10 =	vand.u32 $0xFFFF0000, v11;
	v8 =	vld.idx.msk [tilespmem:v14+s14+$0x0], $0xffff  }
0xd7: {  	v7 =	vmul.f32 v10, v7;
	v6 =	vadd.f32 v9, v6  }
0xd8: {  	v10 =	vor.u32 $0x7, v3;
	v9 =	vshll.u32 v12, $0x10;
	v11 =	vshll.u32 v13, $0x10  }
.Ltmp2:
0xd9: {  	v3 =	vadd.f32 v6, v7;
	v7 =	vmul.f32 v11, v9;
	v6 =	vld.idx.msk [tilespmem:v15+s13+$0x0], $0xffff;
	(pc) =	sbr.rel @p0 .LBB2_8-.Ltmp2, $4  }
0xda: {  	v11 =	vand.u32 $0xFFFF0000, v12;
	v12 =	vand.u32 $0xFFFF0000, v13;
	v9 =	vld.idx.msk [tilespmem:v15+s14+$0x0], $0xffff  }
0xdb: {  	v4 =	vadd.s32 $0x8, v4;
	v11 =	vmul.f32 v12, v11;
	v7 =	vadd.f32 v7, v3  }
0xdc: {  	v12 =	vshll.u32 v5, $0x10;
	v3 =	vadd.s32 v2, v4;
	v13 =	vshll.u32 v8, $0x10  }
0xdd: {  	s24 =	sadd.s32 $0xFFFFFFFF, s24;
	v12 =	vmul.f32 v13, v12;
	v11 =	vadd.f32 v7, v11;
	v7 =	vld.idx.msk [tilespmem:v10+s13+$0x0], $0xffff  }
0xde: {  	_ =	sdelay $0x2  }
0xdf: {  	v2 =	vand.u32 $0xFFFF0000, v5;
	v4 =	vand.u32 $0xFFFF0000, v8  }
0xe0: {  	v42 =	vld.idx.msk [tilespmem:v10+s14+$0x0], $0xffff;
	v43 =	vadd.f32 v12, v11;
	v2 =	vmul.f32 v4, v2  }
0xe1: {  	v44 =	vshll.u32 v6, $0x10;
	v45 =	vshll.u32 v9, $0x10  }
0xe2: {  	v46 =	vor.u32 $0x1, v3;
	v4 =	vmul.f32 v45, v44;
	v2 =	vadd.f32 v43, v2  }
0xe3: {  	v47 =	vld.idx.msk [tilespmem:v3+s13+$0x0], $0xffff;
	v48 =	vand.u32 $0xFFFF0000, v6;
	v49 =	vand.u32 $0xFFFF0000, v9  }
0xe4: {  	v50 =	vld.idx.msk [tilespmem:v3+s14+$0x0], $0xffff;
	v51 =	vmul.f32 v49, v48;
	v2 =	vadd.f32 v4, v2  }
0xe5: {  	v52 =	vshll.u32 v7, $0x10;
	v53 =	vshll.u32 v42, $0x10  }
0xe6: {  	v54 =	vor.u32 $0x2, v3;
	v55 =	vmul.f32 v53, v52;
	v2 =	vadd.f32 v2, v51  }
0xe7: {  	v57 =	vand.u32 $0xFFFF0000, v7;
	v56 =	vld.idx.msk [tilespmem:v46+s13+$0x0], $0xffff;
	v5 =	vand.u32 $0xFFFF0000, v42  }
0xe8: {  	v58 =	vld.idx.msk [tilespmem:v46+s14+$0x0], $0xffff;
	v59 =	vmul.f32 v5, v57;
	v2 =	vadd.f32 v55, v2  }
0xe9: {  	v60 =	vshll.u32 v47, $0x10;
	v61 =	vshll.u32 v50, $0x10  }
0xea: {  	v62 =	vor.u32 $0x3, v3;
	v5 =	vmul.f32 v61, v60;
	v2 =	vadd.f32 v2, v59  }
0xeb: {  	v63 =	vld.idx.msk [tilespmem:v54+s13+$0x0], $0xffff;
	v14 =	vand.u32 $0xFFFF0000, v47;
	v15 =	vand.u32 $0xFFFF0000, v50  }
0xec: {  	v16 =	vld.idx.msk [tilespmem:v54+s14+$0x0], $0xffff;
	v17 =	vmul.f32 v15, v14;
	v2 =	vadd.f32 v5, v2  }
0xed: {  	v18 =	vshll.u32 v56, $0x10;
	v19 =	vshll.u32 v58, $0x10  }
0xee: {  	v20 =	vor.u32 $0x4, v3;
	v21 =	vmul.f32 v19, v18;
	v2 =	vadd.f32 v2, v17  }
0xef: {  	v22 =	vld.idx.msk [tilespmem:v62+s13+$0x0], $0xffff;
	v6 =	vand.u32 $0xFFFF0000, v56;
	v23 =	vand.u32 $0xFFFF0000, v58  }
0xf0: {  	v24 =	vld.idx.msk [tilespmem:v62+s14+$0x0], $0xffff;
	v25 =	vmul.f32 v23, v6;
	v2 =	vadd.f32 v21, v2  }
0xf1: {  	v26 =	vshll.u32 v63, $0x10;
	v27 =	vshll.u32 v16, $0x10  }
0xf2: {  	v28 =	vor.u32 $0x5, v3;
	v29 =	vmul.f32 v27, v26;
	v2 =	vadd.f32 v2, v25  }
0xf3: {  	v30 =	vld.idx.msk [tilespmem:v20+s13+$0x0], $0xffff;
	v4 =	vand.u32 $0xFFFF0000, v63;
	v31 =	vand.u32 $0xFFFF0000, v16  }
0xf4: {  	v32 =	vld.idx.msk [tilespmem:v20+s14+$0x0], $0xffff;
	v4 =	vmul.f32 v31, v4;
	v2 =	vadd.f32 v29, v2  }
0xf5: {  	v33 =	vshll.u32 v22, $0x10;
	v34 =	vshll.u32 v24, $0x10  }
0xf6: {  	v35 =	vor.u32 $0x6, v3;
	v36 =	vmul.f32 v34, v33;
	v2 =	vadd.f32 v2, v4  }
0xf7: {  	v37 =	vld.idx.msk [tilespmem:v28+s13+$0x0], $0xffff;
	v7 =	vand.u32 $0xFFFF0000, v22;
	v38 =	vand.u32 $0xFFFF0000, v24  }
0xf8: {  	v39 =	vld.idx.msk [tilespmem:v28+s14+$0x0], $0xffff;
	v40 =	vmul.f32 v38, v7;
	v2 =	vadd.f32 v36, v2  }
0xf9: {  	v41 =	vshll.u32 v30, $0x10;
	v42 =	vshll.u32 v32, $0x10  }
0xfa: {  	v3 =	vor.u32 $0x7, v3;
	v43 =	vmul.f32 v42, v41;
	v2 =	vadd.f32 v2, v40  }
0xfb: {  	v44 =	vld.idx.msk [tilespmem:v35+s13+$0x0], $0xffff;
	v45 =	vand.u32 $0xFFFF0000, v32;
	v6 =	vand.u32 $0xFFFF0000, v30  }
0xfc: {  	v46 =	vld.idx.msk [tilespmem:v35+s14+$0x0], $0xffff;
	v47 =	vmul.f32 v45, v6;
	v2 =	vadd.f32 v43, v2  }
0xfd: {  	v48 =	vshll.u32 v37, $0x10;
	v49 =	vshll.u32 v39, $0x10  }
0xfe: {  	v50 =	vmul.f32 v49, v48;
	v2 =	vadd.f32 v2, v47  }
0xff: {  	v51 =	vld.idx.msk [tilespmem:v3+s13+$0x0], $0xffff;
	v52 =	vand.u32 $0xFFFF0000, v39;
	v5 =	vand.u32 $0xFFFF0000, v37  }
0x100: {  	v3 =	vld.idx.msk [tilespmem:v3+s14+$0x0], $0xffff;
	v53 =	vmul.f32 v52, v5;
	v2 =	vadd.f32 v50, v2  }
0x101: {  	v54 =	vshll.u32 v44, $0x10;
	v55 =	vshll.u32 v46, $0x10  }
0x102: {  	v56 =	vmul.f32 v55, v54;
	v2 =	vadd.f32 v2, v53  }
0x103: {  	v57 =	vand.u32 $0xFFFF0000, v44;
	v58 =	vand.u32 $0xFFFF0000, v46  }
0x104: {  	v59 =	vmul.f32 v58, v57;
	v2 =	vadd.f32 v56, v2  }
0x105: {  	v60 =	vshll.u32 v51, $0x10;
	v61 =	vshll.u32 v3, $0x10  }
0x106: {  	s22 =	sadd.s32 $0x1, s22;
	v62 =	vmul.f32 v61, v60;
	v2 =	vadd.f32 v2, v59  }
0x107: {  	p0 =	sne.s32 s22, $0x8;
	v63 =	vand.u32 $0xFFFF0000, v51;
	v3 =	vand.u32 $0xFFFF0000, v3  }
.Ltmp3:
0x108: {  	v3 =	vmul.f32 v3, v63;
	v2 =	vadd.f32 v62, v2;
	(pc) =	sbr.rel @p0 .LBB2_7-.Ltmp3, $3  }
0x109: {  	_ = 	snop  }
0x10a: {  	v2 =	vadd.f32 v2, v3;
	_ =	sdelay $0x1  }
0x10b: {  	[tilespmem:v1+s23+$0x0 ss:$0x1] =	vst.idx.msk $0xffff, v2  }
0x10c: {  	s21 =	sadd.s32 $0x1, s21  }
0x10d: {  	p0 =	sne.s32 s21, $0x28  }
.Ltmp4:
0x10e: {  	_ = 	snop;
	(pc) =	sbr.rel @p0 .LBB2_2-.Ltmp4, $1  }
0x10f: {  	_ =	sdelay $0x3  }
0x110: {  	s20 =	sadd.s32 $0x1, s20  }
0x111: {  	p0 =	sne.s32 s20, s7  }
.Ltmp5:
0x112: {  	_ = 	snop;
	(pc) =	sbr.rel @p0 .LBB2_1-.Ltmp5, $4  }
0x113: {  	[hbm4b:s6+s3] =	stream.linear.scatter [tilespmem:s19], [sflag:$0x5], $0x2800, $0x38;
	[tilespmem:$0xF800] =	vst v63  }
0x114: {  	_ =	swait.ge [sflag:s8], $0x2800  }
0x115: {  	[sflag:s8] =	ssyncset.done $0x0  }
0x116: {  	[sflag:s8] =	ssyncadd.s32 $0xFFFFD800  }
0x117: {  	_ =	sfence.sel $0x180000  }
0x118: {  	[bflag:$0x0] =	sbarrier.arrive $0xFFFF  }
0x119: {  	p0 =	sne.s32 s0, $0x0;
	_ =	strace $0x90000047  }
0x11a: {  	s0 =	sadd.s32 @!p0 $0x100000, s1;
	[bflag:$0x2] =	sbarrier.arrive $0xFFFF  }
0x11b: {  	[sflag:s0] =	ssyncadd.tile.s32 @!p0 $0x1;
	_ =	shalt  }
.Lfunc_end2:
_tile_overlayer_lowered:
.L_overlay_start_2:
0x11c: {  	(tag) =	ssettag $0x2  }
0x11d: {  	s0 =	rddreg [dreg:$0x0];
	s2 =	stileid.u32  }
0x11e: {  	s1 =	rddreg [dreg:$0x1];
	p0 =	sne.s32 s2, $0x0  }
0x11f: {  	s3 =	rddreg [dreg:$0x2];
	[bflag:$0x3] =	sbarrier.arrive $0xFFFF;
	s2 =	simm.s32 @!p0 $0x1C05  }
0x120: {  	[timem:s3], [sflag:s2] =	dma.local @!p0 [hbm:s0], s1  }
0x121: {  	s0 =	simm.s32 @!p0 $0x5  }
0x122: {  	_ =	swait.ge @!p0 [sflag:s0], s1  }
0x123: {  	s1 =	ssub.s32 @!p0 $0x0, s1;
	[sflag:s0] =	ssyncset.done @!p0 $0x0  }
0x124: {  	[sflag:s0] =	ssyncadd.s32 @!p0 s1  }
0x125: {  	[bflag:$0x3] =	sbarrier.arrive $0xFFFF  }
0x126: {  	_ =	shalt  }

</sc_bundles>
